<compile_context>
chip_gen: v7x
topology: tpu7x:2x2x1
jax: 0.10.2.dev20260603
libtpu: 0.0.44.dev20260713+nightly
codegen_flags: <defaults>
</compile_context>

<pallas_src>
import numpy as np
import jax
import jax.numpy as jnp
from jax.experimental import pallas as pl

_ND, _DL, _NM = 16, 50, 3
_N = _ND * _NM * _DL
_H = 512
_BD = 4
_R = _BD * _NM * _DL
_G = _ND // _BD

_r = np.arange(_N)
_d = _r // 150
_rem = _r % 150
_m = _rem // 50
_t = _rem % 50
_P1 = (300 * _d + _rem).astype(np.int32)
_P2 = (300 * _d + 150 + 3 * _t + _m).astype(np.int32)
_WMOD = (53 * _d + _m).astype(np.int32)
_WTRI = (53 * _d + 3 + _t).astype(np.int32)
_s = np.arange(48)
_WMODE = (53 * (_s // 3) + _s % 3).astype(np.int32)

_mask_cols = np.stack([
    (_m <= 1), (_m >= 1), (_m == 0), (_m == 2),
    (_t != 49), (_t != 0),
    (_t < 47),
    np.where((_t == 0) | (_t == 49), 1.0 / 3.0, 0.25)
], axis=1).astype(np.float32)
_MASKS = _mask_cols

_seg_blk = (np.arange(16)[:, None] == (np.arange(_R) // 50)[None, :])
_SEG = np.ascontiguousarray(
    np.broadcast_to(_seg_blk[None], (_G, 16, _R)).astype(np.float32))

_DOT = dict(preferred_element_type=jnp.float32)


def _body(feat_ref, qd_ref, spk_ref, wfc_ref, bfc_ref, th_ref, wg_ref,
          a1_ref, a2_ref, cols_ref, seg_ref, wmode_ref, masks_ref, out_ref):
    masks = masks_ref[...]
    m01 = masks[:, 0:1]
    m12 = masks[:, 1:2]
    m0 = masks[:, 2:3]
    m2 = masks[:, 3:4]
    n49 = masks[:, 4:5]
    n0 = masks[:, 5:6]
    t47 = masks[:, 6:7]
    inv_deg = masks[:, 7:8]

    cols = cols_ref[...]
    ew1 = cols[:, 0:1]
    ew2 = cols[:, 1:2]
    wmod = cols[:, 2:3]
    wtri = cols[:, 3:4]
    wmode = wmode_ref[0]

    attr1 = a1_ref[...]
    attr2 = a2_ref[...]

    zeros1 = jnp.zeros((1, _H), jnp.float32)
    zeros50 = jnp.zeros((50, _H), jnp.float32)
    zeros100 = jnp.zeros((100, _H), jnp.float32)

    def shup(x, k, z):
        return jnp.concatenate([x[k:], z], axis=0)

    def shdn(x, k, z):
        return jnp.concatenate([z, x[:-k]], axis=0)

    def other_mod(x):
        return (shup(x, 50, zeros50) * m01 + shdn(x, 50, zeros50) * m12 +
                shup(x, 100, zeros100) * m0 + shdn(x, 100, zeros100) * m2)

    qd = qd_ref[...]
    spk_sel = (qd[:, 1:2] > qd[:, 0:1]).astype(jnp.float32) * m0
    spk0 = spk_ref[0:1, :]
    spk1 = spk_ref[1:2, :]
    feat = feat_ref[...] + m0 * spk0 + spk_sel * (spk1 - spk0)
    x1 = jnp.dot(feat, wfc_ref[...], **_DOT) + bfc_ref[...]

    seg = seg_ref[0]
    attr_tri = t47 * (attr1 - attr2) + attr2

    x = x1
    for i in range(3):
        xp = jnp.dot(x, th_ref[i], **_DOT)
        me_mod = jnp.dot(seg, xp * ew1, **_DOT)
        z = wmode * (me_mod * (1.0 / 50.0) + attr1)
        part_mod = jnp.dot(seg.T, z, **_DOT)
        y2 = xp * ew2
        me_tri = (y2 + other_mod(y2)) * (1.0 / 3.0) + attr_tri
        ov = part_mod + wtri * me_tri
        ddeg = jnp.maximum(wmod + wtri, 1e-6)
        x = jnp.maximum(ov / ddeg, 0.0)

    g = x1
    for k in range(4):
        nbr = (shup(g, 1, zeros1) * n49 + shdn(g, 1, zeros1) * n0 +
               other_mod(g))
        g = g + jnp.maximum(jnp.dot(nbr * inv_deg, wg_ref[k], **_DOT), 0.0)

    out_ref[...] = x + g


def kernel(a, v, l, qmask, dia_len, speakers, spk_table, W_fc1, b_fc1,
           hyperedge_weight, EW_weight, attr1, attr2, Th, Wg):
    f32 = jnp.float32
    feat0 = jnp.stack([l.reshape(_ND, _DL, _H), a.reshape(_ND, _DL, _H),
                       v.reshape(_ND, _DL, _H)], axis=1).reshape(_N, _H)
    qm = qmask.transpose(1, 0, 2).reshape(_ND, 1, _DL, 2)
    qd = jnp.concatenate([qm, jnp.zeros((_ND, 2, _DL, 2), f32)],
                         axis=1).reshape(_N, 2)
    cols = jnp.stack([EW_weight[_P1], EW_weight[_P2],
                      hyperedge_weight[_WMOD], hyperedge_weight[_WTRI]],
                     axis=1)
    wmode = jnp.pad(hyperedge_weight[_WMODE].reshape(_G, 12), ((0, 0), (0, 4)))
    wmode = wmode[..., None]

    row_spec = lambda w: pl.BlockSpec((_R, w), lambda i: (i, 0))
    full2 = lambda s: pl.BlockSpec(s, lambda i: (0, 0))
    full3 = lambda s: pl.BlockSpec(s, lambda i: (0, 0, 0))

    out = pl.pallas_call(
        _body,
        grid=(_G,),
        in_specs=[
            row_spec(_H),
            row_spec(2),
            full2((2, _H)),
            full2((_H, _H)),
            full2((1, _H)),
            full3((3, _H, _H)),
            full3((4, _H, _H)),
            full2((1, _H)),
            full2((1, _H)),
            row_spec(4),
            pl.BlockSpec((1, 16, _R), lambda i: (i, 0, 0)),
            pl.BlockSpec((1, 16, 1), lambda i: (i, 0, 0)),
            row_spec(8),
        ],
        out_specs=row_spec(_H),
        out_shape=jax.ShapeDtypeStruct((_N, _H), f32),
    )(feat0, qd, spk_table, W_fc1, b_fc1.reshape(1, _H), Th, Wg,
      attr1.reshape(1, _H), attr2.reshape(1, _H), cols, _SEG, wmode, _MASKS)
    return out

# --- scband reference (transcript-rebuilt; emitter-appended) ---
"""Pipeline reference for scband-hyper-gcn-14568529068475 (READ-ONLY COPY).

The authoritative reference and input builder live on the scoring server;
editing this copy changes nothing except your own understanding.
"""

import jax, jax.numpy as jnp
import numpy as np

N_DIA = 16
DLEN = 50
NDIM = 512
NHID = 512


def _build_hyper_index(dl):
    node_count = 0
    edge_count = 0
    i1 = []
    i2 = []
    types = []
    for i in dl:
        i = int(i)
        base = node_count
        nl = list(range(base, base + i))
        na = list(range(base + i, base + 2 * i))
        nv = list(range(base + 2 * i, base + 3 * i))
        i1 += nl + na + nv
        for t in range(i):
            i1 += [nl[t], na[t], nv[t]]
        for e in range(i + 3):
            if e < 3:
                i2 += [edge_count] * i
            else:
                i2 += [edge_count] * 3
            edge_count += 1
        types += [1] * i + [0] * 3
        node_count += 3 * i
    return (np.asarray(i1, np.int32), np.asarray(i2, np.int32),
            np.asarray(types, np.float32), edge_count, node_count)


def _build_gnn_index(dl):
    src = []
    dst = []
    nc = 0
    for i in dl:
        i = int(i)
        nl = list(range(nc, nc + i))
        na = list(range(nc + i, nc + 2 * i))
        nv = list(range(nc + 2 * i, nc + 3 * i))
        for t in range(i - 1):
            for seq in (nl, na, nv):
                src += [seq[t], seq[t + 1]]
                dst += [seq[t + 1], seq[t]]
        for t in range(i):
            for u, w in ((nl[t], na[t]), (nl[t], nv[t]), (na[t], nv[t])):
                src += [u, w]
                dst += [w, u]
        nc += 3 * i
    return np.asarray(src, np.int32), np.asarray(dst, np.int32)


def setup_inputs(seed: int = 0):
    key = jax.random.key(seed)
    ks = jax.random.split(key, 16)
    T = N_DIA * DLEN
    return {
        "a": jax.random.normal(ks[0], (T, NDIM), dtype=jnp.float32),
        "v": jax.random.normal(ks[1], (T, NDIM), dtype=jnp.float32),
        "l": jax.random.normal(ks[2], (T, NDIM), dtype=jnp.float32),
        "qmask": jax.random.normal(ks[3], (DLEN, N_DIA, 2), dtype=jnp.float32),
        "dia_len": jnp.full((N_DIA,), DLEN, dtype=jnp.int32),
        "speakers": jax.random.randint(ks[4], (N_DIA, DLEN), 0, 2, dtype=jnp.int32),
        "spk_table": 0.02 * jax.random.normal(ks[5], (2, NDIM), dtype=jnp.float32),
        "W_fc1": 0.02 * jax.random.normal(ks[6], (NDIM, NHID), dtype=jnp.float32),
        "b_fc1": jnp.zeros((NHID,), dtype=jnp.float32),
        "hyperedge_weight": jnp.ones((1000,), dtype=jnp.float32),
        "EW_weight": jnp.ones((5200,), dtype=jnp.float32),
        "attr1": jax.random.uniform(ks[7], (NHID,), dtype=jnp.float32),
        "attr2": jax.random.uniform(ks[8], (NHID,), dtype=jnp.float32),
        "Th": 0.02 * jax.random.normal(ks[9], (3, NHID, NHID), dtype=jnp.float32),
        "Wg": 0.02 * jax.random.normal(ks[10], (4, NHID, NHID), dtype=jnp.float32),
    }


def reference(a, v, l, qmask, dia_len, speakers, spk_table, W_fc1, b_fc1,
              hyperedge_weight, EW_weight, attr1, attr2, Th, Wg):
    dlen = qmask.shape[0]
    dl = np.full((dia_len.shape[0],), dlen, dtype=np.int32)
    valid = (jnp.arange(dlen, dtype=dia_len.dtype)[None, :] < dia_len[:, None]).reshape(-1)
    # speaker embedding added to the text modality (use_speaker=True)
    qm = jnp.concatenate([qmask[:int(x), i, :] for i, x in enumerate(dl)], axis=0)
    qm = jnp.where(valid[:, None], qm, 0.0)
    spk_idx = jnp.argmax(qm, axis=-1)
    l2 = l + spk_table[spk_idx]
    node_idx, edge_idx, types, n_edges, n_nodes = _build_hyper_index(dl)
    segs = []
    off = 0
    for i in dl:
        i = int(i)
        segs += [l2[off:off + i], a[off:off + i], v[off:off + i]]
        off += i
    features = jnp.concatenate(segs, axis=0)
    x1 = features @ W_fc1 + b_fc1
    w = hyperedge_weight[:n_edges]
    ew = EW_weight[:node_idx.shape[0]]
    edge_attr = attr1[None, :] * types[:, None] + attr2[None, :] * (1.0 - types[:, None])
    ones_inc = jnp.ones((node_idx.shape[0],), jnp.float32)
    Bdeg = jax.ops.segment_sum(ones_inc, edge_idx, num_segments=n_edges)
    Ddeg = jax.ops.segment_sum(w[edge_idx], node_idx, num_segments=n_nodes)

    def hconv(x, Theta):
        xp = x @ Theta
        me = jax.ops.segment_sum(xp[node_idx] * ew[:, None], edge_idx, num_segments=n_edges)
        me = me / jnp.clip(Bdeg, 1.0)[:, None] + edge_attr
        ov = jax.ops.segment_sum(w[edge_idx][:, None] * me[edge_idx], node_idx, num_segments=n_nodes)
        return jax.nn.relu(ov / jnp.clip(Ddeg, 1e-6)[:, None])

    out = x1
    for ll_ in range(3):
        out = hconv(out, Th[ll_])
    src, dst = _build_gnn_index(dl)
    deg = jnp.clip(jax.ops.segment_sum(jnp.ones((dst.shape[0],), jnp.float32), dst, num_segments=n_nodes), 1.0)
    gnn_out = x1
    for kk in range(4):
        agg = jax.ops.segment_sum(gnn_out[src], dst, num_segments=n_nodes) / deg[:, None]
        gnn_out = gnn_out + jax.nn.relu(agg @ Wg[kk])
    return out + gnn_out

if __name__ == "__main__":
    import jax
    _d = setup_inputs()
    print(jax.jit(kernel)(*tuple(_d.values())))

</pallas_src>

<mosaic_0001>
module attributes {stable_mosaic.version = 14 : i64} {
  func.func @_body(%arg0: i32, %arg1: memref<600x512xf32, #tpu.memory_space<vmem>>, %arg2: memref<600x2xf32, #tpu.memory_space<vmem>>, %arg3: memref<2x512xf32, #tpu.memory_space<vmem>>, %arg4: memref<512x512xf32, #tpu.memory_space<vmem>>, %arg5: memref<1x512xf32, #tpu.memory_space<vmem>>, %arg6: memref<3x512x512xf32, #tpu.memory_space<vmem>>, %arg7: memref<4x512x512xf32, #tpu.memory_space<vmem>>, %arg8: memref<1x512xf32, #tpu.memory_space<vmem>>, %arg9: memref<1x512xf32, #tpu.memory_space<vmem>>, %arg10: memref<600x4xf32, #tpu.memory_space<vmem>>, %arg11: memref<1x16x600xf32, #tpu.memory_space<vmem>>, %arg12: memref<1x16x1xf32, #tpu.memory_space<vmem>>, %arg13: memref<600x8xf32, #tpu.memory_space<vmem>>, %arg14: memref<600x512xf32, #tpu.memory_space<vmem>>) attributes {dimension_semantics = [#tpu.dimension_semantics<arbitrary>], iteration_bounds = array<i64: 4>, scalar_prefetch = 0 : i64, scratch_operands = 0 : i64, tpu.core_type = #tpu.core_type<tc>, window_params = [{transform_indices = @transform_0, window_bounds = array<i64: 600, 512>}, {transform_indices = @transform_1, window_bounds = array<i64: 600, 2>}, {pipeline_mode = #tpu.pipeline_mode<synchronous>, transform_indices = @transform_2, window_bounds = array<i64: 2, 512>}, {pipeline_mode = #tpu.pipeline_mode<synchronous>, transform_indices = @transform_3, window_bounds = array<i64: 512, 512>}, {pipeline_mode = #tpu.pipeline_mode<synchronous>, transform_indices = @transform_4, window_bounds = array<i64: 1, 512>}, {pipeline_mode = #tpu.pipeline_mode<synchronous>, transform_indices = @transform_5, window_bounds = array<i64: 3, 512, 512>}, {pipeline_mode = #tpu.pipeline_mode<synchronous>, transform_indices = @transform_6, window_bounds = array<i64: 4, 512, 512>}, {pipeline_mode = #tpu.pipeline_mode<synchronous>, transform_indices = @transform_7, window_bounds = array<i64: 1, 512>}, {pipeline_mode = #tpu.pipeline_mode<synchronous>, transform_indices = @transform_8, window_bounds = array<i64: 1, 512>}, {transform_indices = @transform_9, window_bounds = array<i64: 600, 4>}, {transform_indices = @transform_10, window_bounds = array<i64: 1, 16, 600>}, {transform_indices = @transform_11, window_bounds = array<i64: 1, 16, 1>}, {transform_indices = @transform_12, window_bounds = array<i64: 600, 8>}, {transform_indices = @transform_13, window_bounds = array<i64: 600, 512>}]} {
    %get3A = arith.constant 0 : index
    %get3A_0 = arith.constant 0 : index
    %get3A_1 = vector.load %arg13[%get3A, %get3A_0] : memref<600x8xf32, #tpu.memory_space<vmem>>, vector<600x8xf32>
    %slice3A = vector.extract_strided_slice %get3A_1 {offsets = [0, 0], sizes = [600, 1], strides = [1, 1]} : vector<600x8xf32> to vector<600x1xf32>
    %slice3A_2 = vector.extract_strided_slice %get3A_1 {offsets = [0, 1], sizes = [600, 1], strides = [1, 1]} : vector<600x8xf32> to vector<600x1xf32>
    %slice3A_3 = vector.extract_strided_slice %get3A_1 {offsets = [0, 2], sizes = [600, 1], strides = [1, 1]} : vector<600x8xf32> to vector<600x1xf32>
    %slice3A_4 = vector.extract_strided_slice %get3A_1 {offsets = [0, 3], sizes = [600, 1], strides = [1, 1]} : vector<600x8xf32> to vector<600x1xf32>
    %slice3A_5 = vector.extract_strided_slice %get3A_1 {offsets = [0, 4], sizes = [600, 1], strides = [1, 1]} : vector<600x8xf32> to vector<600x1xf32>
    %slice3A_6 = vector.extract_strided_slice %get3A_1 {offsets = [0, 5], sizes = [600, 1], strides = [1, 1]} : vector<600x8xf32> to vector<600x1xf32>
    %slice3A_7 = vector.extract_strided_slice %get3A_1 {offsets = [0, 6], sizes = [600, 1], strides = [1, 1]} : vector<600x8xf32> to vector<600x1xf32>
    %slice3A_8 = vector.extract_strided_slice %get3A_1 {offsets = [0, 7], sizes = [600, 1], strides = [1, 1]} : vector<600x8xf32> to vector<600x1xf32>
    %get3A_9 = arith.constant 0 : index
    %get3A_10 = arith.constant 0 : index
    %get3A_11 = vector.load %arg10[%get3A_9, %get3A_10] : memref<600x4xf32, #tpu.memory_space<vmem>>, vector<600x4xf32>
    %slice3A_12 = vector.extract_strided_slice %get3A_11 {offsets = [0, 0], sizes = [600, 1], strides = [1, 1]} : vector<600x4xf32> to vector<600x1xf32>
    %slice3A_13 = vector.extract_strided_slice %get3A_11 {offsets = [0, 1], sizes = [600, 1], strides = [1, 1]} : vector<600x4xf32> to vector<600x1xf32>
    %slice3A_14 = vector.extract_strided_slice %get3A_11 {offsets = [0, 2], sizes = [600, 1], strides = [1, 1]} : vector<600x4xf32> to vector<600x1xf32>
    %slice3A_15 = vector.extract_strided_slice %get3A_11 {offsets = [0, 3], sizes = [600, 1], strides = [1, 1]} : vector<600x4xf32> to vector<600x1xf32>
    %get3A_16 = arith.constant 0 : index
    %get3A_17 = arith.constant 0 : index
    %get3A_18 = arith.constant 0 : index
    %get3A_19 = vector.load %arg12[%get3A_16, %get3A_17, %get3A_18] : memref<1x16x1xf32, #tpu.memory_space<vmem>>, vector<1x16x1xf32>
    %get3A_20 = vector.shape_cast %get3A_19 : vector<1x16x1xf32> to vector<16x1xf32>
    %get3A_21 = arith.constant 0 : index
    %get3A_22 = arith.constant 0 : index
    %get3A_23 = vector.load %arg8[%get3A_21, %get3A_22] : memref<1x512xf32, #tpu.memory_space<vmem>>, vector<1x512xf32>
    %get3A_24 = arith.constant 0 : index
    %get3A_25 = arith.constant 0 : index
    %get3A_26 = vector.load %arg9[%get3A_24, %get3A_25] : memref<1x512xf32, #tpu.memory_space<vmem>>, vector<1x512xf32>
    %broadcast_in_dim3A = arith.constant 0.000000e+00 : f32
    %broadcast_in_dim3A_27 = vector.broadcast %broadcast_in_dim3A : f32 to vector<1x512xf32>
    %broadcast_in_dim3A_28 = arith.constant 0.000000e+00 : f32
    %broadcast_in_dim3A_29 = vector.broadcast %broadcast_in_dim3A_28 : f32 to vector<50x512xf32>
    %broadcast_in_dim3A_30 = arith.constant 0.000000e+00 : f32
    %broadcast_in_dim3A_31 = vector.broadcast %broadcast_in_dim3A_30 : f32 to vector<100x512xf32>
    %get3A_32 = arith.constant 0 : index
    %get3A_33 = arith.constant 0 : index
    %get3A_34 = vector.load %arg2[%get3A_32, %get3A_33] : memref<600x2xf32, #tpu.memory_space<vmem>>, vector<600x2xf32>
    %slice3A_35 = vector.extract_strided_slice %get3A_34 {offsets = [0, 1], sizes = [600, 1], strides = [1, 1]} : vector<600x2xf32> to vector<600x1xf32>
    %slice3A_36 = vector.extract_strided_slice %get3A_34 {offsets = [0, 0], sizes = [600, 1], strides = [1, 1]} : vector<600x2xf32> to vector<600x1xf32>
    %gt3A = arith.cmpf ogt, %slice3A_35, %slice3A_36 : vector<600x1xf32>
    %convert_element_type3A = arith.extui %gt3A : vector<600x1xi1> to vector<600x1xi32>
    %convert_element_type3A_37 = arith.sitofp %convert_element_type3A : vector<600x1xi32> to vector<600x1xf32>
    %mul3A = arith.mulf %convert_element_type3A_37, %slice3A_3 : vector<600x1xf32>
    %get3A_38 = arith.constant 0 : index
    %get3A_39 = arith.constant 0 : index
    %get3A_40 = vector.load %arg3[%get3A_38, %get3A_39] : memref<2x512xf32, #tpu.memory_space<vmem>>, vector<1x512xf32>
    %get3A_41 = arith.constant 1 : index
    %get3A_42 = arith.constant 0 : index
    %get3A_43 = vector.load %arg3[%get3A_41, %get3A_42] : memref<2x512xf32, #tpu.memory_space<vmem>>, vector<1x512xf32>
    %get3A_44 = arith.constant 0 : index
    %get3A_45 = arith.constant 0 : index
    %get3A_46 = vector.load %arg1[%get3A_44, %get3A_45] : memref<600x512xf32, #tpu.memory_space<vmem>>, vector<600x512xf32>
    %mul3A_47 = vector.broadcast %slice3A_3 : vector<600x1xf32> to vector<600x512xf32>
    %mul3A_48 = vector.broadcast %get3A_40 : vector<1x512xf32> to vector<600x512xf32>
    %mul3A_49 = arith.mulf %mul3A_47, %mul3A_48 : vector<600x512xf32>
    %add3A = arith.addf %get3A_46, %mul3A_49 : vector<600x512xf32>
    %sub3A = arith.subf %get3A_43, %get3A_40 : vector<1x512xf32>
    %mul3A_50 = vector.broadcast %mul3A : vector<600x1xf32> to vector<600x512xf32>
    %mul3A_51 = vector.broadcast %sub3A : vector<1x512xf32> to vector<600x512xf32>
    %mul3A_52 = arith.mulf %mul3A_50, %mul3A_51 : vector<600x512xf32>
    %add3A_53 = arith.addf %add3A, %mul3A_52 : vector<600x512xf32>
    %get3A_54 = arith.constant 0 : index
    %get3A_55 = arith.constant 0 : index
    %get3A_56 = vector.load %arg4[%get3A_54, %get3A_55] : memref<512x512xf32, #tpu.memory_space<vmem>>, vector<512x512xf32>
    %dot_general3A = arith.constant dense<0.000000e+00> : vector<600x512xf32>
    %dot_general3A_57 = tpu.matmul %add3A_53, %get3A_56, %dot_general3A {dimension_numbers = #tpu.dot_dimension_numbers<[1], [0], [0], [1], [0, 0, 1, 1], [], []>, transpose_lhs_hint = false} : vector<600x512xf32>, vector<512x512xf32>, vector<600x512xf32> -> vector<600x512xf32>
    %get3A_58 = arith.constant 0 : index
    %get3A_59 = arith.constant 0 : index
    %get3A_60 = vector.load %arg5[%get3A_58, %get3A_59] : memref<1x512xf32, #tpu.memory_space<vmem>>, vector<1x512xf32>
    %add3A_61 = vector.broadcast %get3A_60 : vector<1x512xf32> to vector<600x512xf32>
    %add3A_62 = arith.addf %dot_general3A_57, %add3A_61 : vector<600x512xf32>
    %get3A_63 = arith.constant 0 : index
    %get3A_64 = arith.constant 0 : index
    %get3A_65 = arith.constant 0 : index
    %get3A_66 = vector.load %arg11[%get3A_63, %get3A_64, %get3A_65] : memref<1x16x600xf32, #tpu.memory_space<vmem>>, vector<1x16x600xf32>
    %get3A_67 = vector.shape_cast %get3A_66 : vector<1x16x600xf32> to vector<16x600xf32>
    %sub3A_68 = arith.subf %get3A_23, %get3A_26 : vector<1x512xf32>
    %mul3A_69 = vector.broadcast %slice3A_7 : vector<600x1xf32> to vector<600x512xf32>
    %mul3A_70 = vector.broadcast %sub3A_68 : vector<1x512xf32> to vector<600x512xf32>
    %mul3A_71 = arith.mulf %mul3A_69, %mul3A_70 : vector<600x512xf32>
    %add3A_72 = vector.broadcast %get3A_26 : vector<1x512xf32> to vector<600x512xf32>
    %add3A_73 = arith.addf %mul3A_71, %add3A_72 : vector<600x512xf32>
    %get3A_74 = arith.constant 0 : index
    %get3A_75 = arith.constant 0 : index
    %get3A_76 = arith.constant 0 : index
    %get3A_77 = vector.load %arg6[%get3A_74, %get3A_75, %get3A_76] : memref<3x512x512xf32, #tpu.memory_space<vmem>>, vector<1x512x512xf32>
    %get3A_78 = vector.shape_cast %get3A_77 : vector<1x512x512xf32> to vector<512x512xf32>
    %dot_general3A_79 = arith.constant dense<0.000000e+00> : vector<600x512xf32>
    %dot_general3A_80 = tpu.matmul %add3A_62, %get3A_78, %dot_general3A_79 {dimension_numbers = #tpu.dot_dimension_numbers<[1], [0], [0], [1], [0, 0, 1, 1], [], []>, transpose_lhs_hint = false} : vector<600x512xf32>, vector<512x512xf32>, vector<600x512xf32> -> vector<600x512xf32>
    %mul3A_81 = vector.broadcast %slice3A_12 : vector<600x1xf32> to vector<600x512xf32>
    %mul3A_82 = arith.mulf %dot_general3A_80, %mul3A_81 : vector<600x512xf32>
    %dot_general3A_83 = arith.constant dense<0.000000e+00> : vector<16x512xf32>
    %dot_general3A_84 = tpu.matmul %get3A_67, %mul3A_82, %dot_general3A_83 {dimension_numbers = #tpu.dot_dimension_numbers<[1], [0], [0], [1], [0, 0, 1, 1], [], []>, transpose_lhs_hint = false} : vector<16x600xf32>, vector<600x512xf32>, vector<16x512xf32> -> vector<16x512xf32>
    %mul3A_85 = arith.constant 2.000000e-02 : f32
    %mul3A_86 = vector.broadcast %mul3A_85 : f32 to vector<16x512xf32>
    %mul3A_87 = arith.mulf %dot_general3A_84, %mul3A_86 : vector<16x512xf32>
    %add3A_88 = vector.broadcast %get3A_23 : vector<1x512xf32> to vector<16x512xf32>
    %add3A_89 = arith.addf %mul3A_87, %add3A_88 : vector<16x512xf32>
    %mul3A_90 = vector.broadcast %get3A_20 : vector<16x1xf32> to vector<16x512xf32>
    %mul3A_91 = arith.mulf %mul3A_90, %add3A_89 : vector<16x512xf32>
    %transpose3A = tpu.transpose %get3A_67, [1, 0] : vector<16x600xf32> -> vector<600x16xf32>
    %dot_general3A_92 = arith.constant dense<0.000000e+00> : vector<600x512xf32>
    %dot_general3A_93 = tpu.matmul %transpose3A, %mul3A_91, %dot_general3A_92 {dimension_numbers = #tpu.dot_dimension_numbers<[1], [0], [0], [1], [0, 0, 1, 1], [], []>, transpose_lhs_hint = false} : vector<600x16xf32>, vector<16x512xf32>, vector<600x512xf32> -> vector<600x512xf32>
    %mul3A_94 = vector.broadcast %slice3A_13 : vector<600x1xf32> to vector<600x512xf32>
    %mul3A_95 = arith.mulf %dot_general3A_80, %mul3A_94 : vector<600x512xf32>
    %slice3A_96 = vector.extract_strided_slice %mul3A_95 {offsets = [50, 0], sizes = [550, 512], strides = [1, 1]} : vector<600x512xf32> to vector<550x512xf32>
    %concatenate3A = tpu.concatenate %slice3A_96, %broadcast_in_dim3A_29 in 0 : vector<550x512xf32>, vector<50x512xf32> -> vector<600x512xf32>
    %mul3A_97 = vector.broadcast %slice3A : vector<600x1xf32> to vector<600x512xf32>
    %mul3A_98 = arith.mulf %concatenate3A, %mul3A_97 : vector<600x512xf32>
    %slice3A_99 = vector.extract_strided_slice %mul3A_95 {offsets = [0, 0], sizes = [550, 512], strides = [1, 1]} : vector<600x512xf32> to vector<550x512xf32>
    %concatenate3A_100 = tpu.concatenate %broadcast_in_dim3A_29, %slice3A_99 in 0 : vector<50x512xf32>, vector<550x512xf32> -> vector<600x512xf32>
    %mul3A_101 = vector.broadcast %slice3A_2 : vector<600x1xf32> to vector<600x512xf32>
    %mul3A_102 = arith.mulf %concatenate3A_100, %mul3A_101 : vector<600x512xf32>
    %add3A_103 = arith.addf %mul3A_98, %mul3A_102 : vector<600x512xf32>
    %slice3A_104 = vector.extract_strided_slice %mul3A_95 {offsets = [100, 0], sizes = [500, 512], strides = [1, 1]} : vector<600x512xf32> to vector<500x512xf32>
    %concatenate3A_105 = tpu.concatenate %slice3A_104, %broadcast_in_dim3A_31 in 0 : vector<500x512xf32>, vector<100x512xf32> -> vector<600x512xf32>
    %mul3A_106 = vector.broadcast %slice3A_3 : vector<600x1xf32> to vector<600x512xf32>
    %mul3A_107 = arith.mulf %concatenate3A_105, %mul3A_106 : vector<600x512xf32>
    %add3A_108 = arith.addf %add3A_103, %mul3A_107 : vector<600x512xf32>
    %slice3A_109 = vector.extract_strided_slice %mul3A_95 {offsets = [0, 0], sizes = [500, 512], strides = [1, 1]} : vector<600x512xf32> to vector<500x512xf32>
    %concatenate3A_110 = tpu.concatenate %broadcast_in_dim3A_31, %slice3A_109 in 0 : vector<100x512xf32>, vector<500x512xf32> -> vector<600x512xf32>
    %mul3A_111 = vector.broadcast %slice3A_4 : vector<600x1xf32> to vector<600x512xf32>
    %mul3A_112 = arith.mulf %concatenate3A_110, %mul3A_111 : vector<600x512xf32>
    %add3A_113 = arith.addf %add3A_108, %mul3A_112 : vector<600x512xf32>
    %add3A_114 = arith.addf %mul3A_95, %add3A_113 : vector<600x512xf32>
    %mul3A_115 = arith.constant 0.333333343 : f32
    %mul3A_116 = vector.broadcast %mul3A_115 : f32 to vector<600x512xf32>
    %mul3A_117 = arith.mulf %add3A_114, %mul3A_116 : vector<600x512xf32>
    %add3A_118 = arith.addf %mul3A_117, %add3A_73 : vector<600x512xf32>
    %mul3A_119 = vector.broadcast %slice3A_15 : vector<600x1xf32> to vector<600x512xf32>
    %mul3A_120 = arith.mulf %mul3A_119, %add3A_118 : vector<600x512xf32>
    %add3A_121 = arith.addf %dot_general3A_93, %mul3A_120 : vector<600x512xf32>
    %add3A_122 = arith.addf %slice3A_14, %slice3A_15 : vector<600x1xf32>
    %max3A = arith.constant 9.99999997E-7 : f32
    %max3A_123 = vector.broadcast %max3A : f32 to vector<600x1xf32>
    %max3A_124 = arith.maximumf %add3A_122, %max3A_123 : vector<600x1xf32>
    %div3A = vector.broadcast %max3A_124 : vector<600x1xf32> to vector<600x512xf32>
    %div3A_125 = arith.divf %add3A_121, %div3A : vector<600x512xf32>
    %max3A_126 = arith.constant 0.000000e+00 : f32
    %max3A_127 = vector.broadcast %max3A_126 : f32 to vector<600x512xf32>
    %max3A_128 = arith.maximumf %div3A_125, %max3A_127 : vector<600x512xf32>
    %get3A_129 = arith.constant 1 : index
    %get3A_130 = arith.constant 0 : index
    %get3A_131 = arith.constant 0 : index
    %get3A_132 = vector.load %arg6[%get3A_129, %get3A_130, %get3A_131] : memref<3x512x512xf32, #tpu.memory_space<vmem>>, vector<1x512x512xf32>
    %get3A_133 = vector.shape_cast %get3A_132 : vector<1x512x512xf32> to vector<512x512xf32>
    %dot_general3A_134 = arith.constant dense<0.000000e+00> : vector<600x512xf32>
    %dot_general3A_135 = tpu.matmul %max3A_128, %get3A_133, %dot_general3A_134 {dimension_numbers = #tpu.dot_dimension_numbers<[1], [0], [0], [1], [0, 0, 1, 1], [], []>, transpose_lhs_hint = false} : vector<600x512xf32>, vector<512x512xf32>, vector<600x512xf32> -> vector<600x512xf32>
    %mul3A_136 = vector.broadcast %slice3A_12 : vector<600x1xf32> to vector<600x512xf32>
    %mul3A_137 = arith.mulf %dot_general3A_135, %mul3A_136 : vector<600x512xf32>
    %dot_general3A_138 = arith.constant dense<0.000000e+00> : vector<16x512xf32>
    %dot_general3A_139 = tpu.matmul %get3A_67, %mul3A_137, %dot_general3A_138 {dimension_numbers = #tpu.dot_dimension_numbers<[1], [0], [0], [1], [0, 0, 1, 1], [], []>, transpose_lhs_hint = false} : vector<16x600xf32>, vector<600x512xf32>, vector<16x512xf32> -> vector<16x512xf32>
    %mul3A_140 = arith.constant 2.000000e-02 : f32
    %mul3A_141 = vector.broadcast %mul3A_140 : f32 to vector<16x512xf32>
    %mul3A_142 = arith.mulf %dot_general3A_139, %mul3A_141 : vector<16x512xf32>
    %add3A_143 = vector.broadcast %get3A_23 : vector<1x512xf32> to vector<16x512xf32>
    %add3A_144 = arith.addf %mul3A_142, %add3A_143 : vector<16x512xf32>
    %mul3A_145 = vector.broadcast %get3A_20 : vector<16x1xf32> to vector<16x512xf32>
    %mul3A_146 = arith.mulf %mul3A_145, %add3A_144 : vector<16x512xf32>
    %transpose3A_147 = tpu.transpose %get3A_67, [1, 0] : vector<16x600xf32> -> vector<600x16xf32>
    %dot_general3A_148 = arith.constant dense<0.000000e+00> : vector<600x512xf32>
    %dot_general3A_149 = tpu.matmul %transpose3A_147, %mul3A_146, %dot_general3A_148 {dimension_numbers = #tpu.dot_dimension_numbers<[1], [0], [0], [1], [0, 0, 1, 1], [], []>, transpose_lhs_hint = false} : vector<600x16xf32>, vector<16x512xf32>, vector<600x512xf32> -> vector<600x512xf32>
    %mul3A_150 = vector.broadcast %slice3A_13 : vector<600x1xf32> to vector<600x512xf32>
    %mul3A_151 = arith.mulf %dot_general3A_135, %mul3A_150 : vector<600x512xf32>
    %slice3A_152 = vector.extract_strided_slice %mul3A_151 {offsets = [50, 0], sizes = [550, 512], strides = [1, 1]} : vector<600x512xf32> to vector<550x512xf32>
    %concatenate3A_153 = tpu.concatenate %slice3A_152, %broadcast_in_dim3A_29 in 0 : vector<550x512xf32>, vector<50x512xf32> -> vector<600x512xf32>
    %mul3A_154 = vector.broadcast %slice3A : vector<600x1xf32> to vector<600x512xf32>
    %mul3A_155 = arith.mulf %concatenate3A_153, %mul3A_154 : vector<600x512xf32>
    %slice3A_156 = vector.extract_strided_slice %mul3A_151 {offsets = [0, 0], sizes = [550, 512], strides = [1, 1]} : vector<600x512xf32> to vector<550x512xf32>
    %concatenate3A_157 = tpu.concatenate %broadcast_in_dim3A_29, %slice3A_156 in 0 : vector<50x512xf32>, vector<550x512xf32> -> vector<600x512xf32>
    %mul3A_158 = vector.broadcast %slice3A_2 : vector<600x1xf32> to vector<600x512xf32>
    %mul3A_159 = arith.mulf %concatenate3A_157, %mul3A_158 : vector<600x512xf32>
    %add3A_160 = arith.addf %mul3A_155, %mul3A_159 : vector<600x512xf32>
    %slice3A_161 = vector.extract_strided_slice %mul3A_151 {offsets = [100, 0], sizes = [500, 512], strides = [1, 1]} : vector<600x512xf32> to vector<500x512xf32>
    %concatenate3A_162 = tpu.concatenate %slice3A_161, %broadcast_in_dim3A_31 in 0 : vector<500x512xf32>, vector<100x512xf32> -> vector<600x512xf32>
    %mul3A_163 = vector.broadcast %slice3A_3 : vector<600x1xf32> to vector<600x512xf32>
    %mul3A_164 = arith.mulf %concatenate3A_162, %mul3A_163 : vector<600x512xf32>
    %add3A_165 = arith.addf %add3A_160, %mul3A_164 : vector<600x512xf32>
    %slice3A_166 = vector.extract_strided_slice %mul3A_151 {offsets = [0, 0], sizes = [500, 512], strides = [1, 1]} : vector<600x512xf32> to vector<500x512xf32>
    %concatenate3A_167 = tpu.concatenate %broadcast_in_dim3A_31, %slice3A_166 in 0 : vector<100x512xf32>, vector<500x512xf32> -> vector<600x512xf32>
    %mul3A_168 = vector.broadcast %slice3A_4 : vector<600x1xf32> to vector<600x512xf32>
    %mul3A_169 = arith.mulf %concatenate3A_167, %mul3A_168 : vector<600x512xf32>
    %add3A_170 = arith.addf %add3A_165, %mul3A_169 : vector<600x512xf32>
    %add3A_171 = arith.addf %mul3A_151, %add3A_170 : vector<600x512xf32>
    %mul3A_172 = arith.constant 0.333333343 : f32
    %mul3A_173 = vector.broadcast %mul3A_172 : f32 to vector<600x512xf32>
    %mul3A_174 = arith.mulf %add3A_171, %mul3A_173 : vector<600x512xf32>
    %add3A_175 = arith.addf %mul3A_174, %add3A_73 : vector<600x512xf32>
    %mul3A_176 = vector.broadcast %slice3A_15 : vector<600x1xf32> to vector<600x512xf32>
    %mul3A_177 = arith.mulf %mul3A_176, %add3A_175 : vector<600x512xf32>
    %add3A_178 = arith.addf %dot_general3A_149, %mul3A_177 : vector<600x512xf32>
    %add3A_179 = arith.addf %slice3A_14, %slice3A_15 : vector<600x1xf32>
    %max3A_180 = arith.constant 9.99999997E-7 : f32
    %max3A_181 = vector.broadcast %max3A_180 : f32 to vector<600x1xf32>
    %max3A_182 = arith.maximumf %add3A_179, %max3A_181 : vector<600x1xf32>
    %div3A_183 = vector.broadcast %max3A_182 : vector<600x1xf32> to vector<600x512xf32>
    %div3A_184 = arith.divf %add3A_178, %div3A_183 : vector<600x512xf32>
    %max3A_185 = arith.constant 0.000000e+00 : f32
    %max3A_186 = vector.broadcast %max3A_185 : f32 to vector<600x512xf32>
    %max3A_187 = arith.maximumf %div3A_184, %max3A_186 : vector<600x512xf32>
    %get3A_188 = arith.constant 2 : index
    %get3A_189 = arith.constant 0 : index
    %get3A_190 = arith.constant 0 : index
    %get3A_191 = vector.load %arg6[%get3A_188, %get3A_189, %get3A_190] : memref<3x512x512xf32, #tpu.memory_space<vmem>>, vector<1x512x512xf32>
    %get3A_192 = vector.shape_cast %get3A_191 : vector<1x512x512xf32> to vector<512x512xf32>
    %dot_general3A_193 = arith.constant dense<0.000000e+00> : vector<600x512xf32>
    %dot_general3A_194 = tpu.matmul %max3A_187, %get3A_192, %dot_general3A_193 {dimension_numbers = #tpu.dot_dimension_numbers<[1], [0], [0], [1], [0, 0, 1, 1], [], []>, transpose_lhs_hint = false} : vector<600x512xf32>, vector<512x512xf32>, vector<600x512xf32> -> vector<600x512xf32>
    %mul3A_195 = vector.broadcast %slice3A_12 : vector<600x1xf32> to vector<600x512xf32>
    %mul3A_196 = arith.mulf %dot_general3A_194, %mul3A_195 : vector<600x512xf32>
    %dot_general3A_197 = arith.constant dense<0.000000e+00> : vector<16x512xf32>
    %dot_general3A_198 = tpu.matmul %get3A_67, %mul3A_196, %dot_general3A_197 {dimension_numbers = #tpu.dot_dimension_numbers<[1], [0], [0], [1], [0, 0, 1, 1], [], []>, transpose_lhs_hint = false} : vector<16x600xf32>, vector<600x512xf32>, vector<16x512xf32> -> vector<16x512xf32>
    %mul3A_199 = arith.constant 2.000000e-02 : f32
    %mul3A_200 = vector.broadcast %mul3A_199 : f32 to vector<16x512xf32>
    %mul3A_201 = arith.mulf %dot_general3A_198, %mul3A_200 : vector<16x512xf32>
    %add3A_202 = vector.broadcast %get3A_23 : vector<1x512xf32> to vector<16x512xf32>
    %add3A_203 = arith.addf %mul3A_201, %add3A_202 : vector<16x512xf32>
    %mul3A_204 = vector.broadcast %get3A_20 : vector<16x1xf32> to vector<16x512xf32>
    %mul3A_205 = arith.mulf %mul3A_204, %add3A_203 : vector<16x512xf32>
    %transpose3A_206 = tpu.transpose %get3A_67, [1, 0] : vector<16x600xf32> -> vector<600x16xf32>
    %dot_general3A_207 = arith.constant dense<0.000000e+00> : vector<600x512xf32>
    %dot_general3A_208 = tpu.matmul %transpose3A_206, %mul3A_205, %dot_general3A_207 {dimension_numbers = #tpu.dot_dimension_numbers<[1], [0], [0], [1], [0, 0, 1, 1], [], []>, transpose_lhs_hint = false} : vector<600x16xf32>, vector<16x512xf32>, vector<600x512xf32> -> vector<600x512xf32>
    %mul3A_209 = vector.broadcast %slice3A_13 : vector<600x1xf32> to vector<600x512xf32>
    %mul3A_210 = arith.mulf %dot_general3A_194, %mul3A_209 : vector<600x512xf32>
    %slice3A_211 = vector.extract_strided_slice %mul3A_210 {offsets = [50, 0], sizes = [550, 512], strides = [1, 1]} : vector<600x512xf32> to vector<550x512xf32>
    %concatenate3A_212 = tpu.concatenate %slice3A_211, %broadcast_in_dim3A_29 in 0 : vector<550x512xf32>, vector<50x512xf32> -> vector<600x512xf32>
    %mul3A_213 = vector.broadcast %slice3A : vector<600x1xf32> to vector<600x512xf32>
    %mul3A_214 = arith.mulf %concatenate3A_212, %mul3A_213 : vector<600x512xf32>
    %slice3A_215 = vector.extract_strided_slice %mul3A_210 {offsets = [0, 0], sizes = [550, 512], strides = [1, 1]} : vector<600x512xf32> to vector<550x512xf32>
    %concatenate3A_216 = tpu.concatenate %broadcast_in_dim3A_29, %slice3A_215 in 0 : vector<50x512xf32>, vector<550x512xf32> -> vector<600x512xf32>
    %mul3A_217 = vector.broadcast %slice3A_2 : vector<600x1xf32> to vector<600x512xf32>
    %mul3A_218 = arith.mulf %concatenate3A_216, %mul3A_217 : vector<600x512xf32>
    %add3A_219 = arith.addf %mul3A_214, %mul3A_218 : vector<600x512xf32>
    %slice3A_220 = vector.extract_strided_slice %mul3A_210 {offsets = [100, 0], sizes = [500, 512], strides = [1, 1]} : vector<600x512xf32> to vector<500x512xf32>
    %concatenate3A_221 = tpu.concatenate %slice3A_220, %broadcast_in_dim3A_31 in 0 : vector<500x512xf32>, vector<100x512xf32> -> vector<600x512xf32>
    %mul3A_222 = vector.broadcast %slice3A_3 : vector<600x1xf32> to vector<600x512xf32>
    %mul3A_223 = arith.mulf %concatenate3A_221, %mul3A_222 : vector<600x512xf32>
    %add3A_224 = arith.addf %add3A_219, %mul3A_223 : vector<600x512xf32>
    %slice3A_225 = vector.extract_strided_slice %mul3A_210 {offsets = [0, 0], sizes = [500, 512], strides = [1, 1]} : vector<600x512xf32> to vector<500x512xf32>
    %concatenate3A_226 = tpu.concatenate %broadcast_in_dim3A_31, %slice3A_225 in 0 : vector<100x512xf32>, vector<500x512xf32> -> vector<600x512xf32>
    %mul3A_227 = vector.broadcast %slice3A_4 : vector<600x1xf32> to vector<600x512xf32>
    %mul3A_228 = arith.mulf %concatenate3A_226, %mul3A_227 : vector<600x512xf32>
    %add3A_229 = arith.addf %add3A_224, %mul3A_228 : vector<600x512xf32>
    %add3A_230 = arith.addf %mul3A_210, %add3A_229 : vector<600x512xf32>
    %mul3A_231 = arith.constant 0.333333343 : f32
    %mul3A_232 = vector.broadcast %mul3A_231 : f32 to vector<600x512xf32>
    %mul3A_233 = arith.mulf %add3A_230, %mul3A_232 : vector<600x512xf32>
    %add3A_234 = arith.addf %mul3A_233, %add3A_73 : vector<600x512xf32>
    %mul3A_235 = vector.broadcast %slice3A_15 : vector<600x1xf32> to vector<600x512xf32>
    %mul3A_236 = arith.mulf %mul3A_235, %add3A_234 : vector<600x512xf32>
    %add3A_237 = arith.addf %dot_general3A_208, %mul3A_236 : vector<600x512xf32>
    %add3A_238 = arith.addf %slice3A_14, %slice3A_15 : vector<600x1xf32>
    %max3A_239 = arith.constant 9.99999997E-7 : f32
    %max3A_240 = vector.broadcast %max3A_239 : f32 to vector<600x1xf32>
    %max3A_241 = arith.maximumf %add3A_238, %max3A_240 : vector<600x1xf32>
    %div3A_242 = vector.broadcast %max3A_241 : vector<600x1xf32> to vector<600x512xf32>
    %div3A_243 = arith.divf %add3A_237, %div3A_242 : vector<600x512xf32>
    %max3A_244 = arith.constant 0.000000e+00 : f32
    %max3A_245 = vector.broadcast %max3A_244 : f32 to vector<600x512xf32>
    %max3A_246 = arith.maximumf %div3A_243, %max3A_245 : vector<600x512xf32>
    %slice3A_247 = vector.extract_strided_slice %add3A_62 {offsets = [1, 0], sizes = [599, 512], strides = [1, 1]} : vector<600x512xf32> to vector<599x512xf32>
    %concatenate3A_248 = tpu.concatenate %slice3A_247, %broadcast_in_dim3A_27 in 0 : vector<599x512xf32>, vector<1x512xf32> -> vector<600x512xf32>
    %mul3A_249 = vector.broadcast %slice3A_5 : vector<600x1xf32> to vector<600x512xf32>
    %mul3A_250 = arith.mulf %concatenate3A_248, %mul3A_249 : vector<600x512xf32>
    %slice3A_251 = vector.extract_strided_slice %add3A_62 {offsets = [0, 0], sizes = [599, 512], strides = [1, 1]} : vector<600x512xf32> to vector<599x512xf32>
    %concatenate3A_252 = tpu.concatenate %broadcast_in_dim3A_27, %slice3A_251 in 0 : vector<1x512xf32>, vector<599x512xf32> -> vector<600x512xf32>
    %mul3A_253 = vector.broadcast %slice3A_6 : vector<600x1xf32> to vector<600x512xf32>
    %mul3A_254 = arith.mulf %concatenate3A_252, %mul3A_253 : vector<600x512xf32>
    %add3A_255 = arith.addf %mul3A_250, %mul3A_254 : vector<600x512xf32>
    %slice3A_256 = vector.extract_strided_slice %add3A_62 {offsets = [50, 0], sizes = [550, 512], strides = [1, 1]} : vector<600x512xf32> to vector<550x512xf32>
    %concatenate3A_257 = tpu.concatenate %slice3A_256, %broadcast_in_dim3A_29 in 0 : vector<550x512xf32>, vector<50x512xf32> -> vector<600x512xf32>
    %mul3A_258 = vector.broadcast %slice3A : vector<600x1xf32> to vector<600x512xf32>
    %mul3A_259 = arith.mulf %concatenate3A_257, %mul3A_258 : vector<600x512xf32>
    %slice3A_260 = vector.extract_strided_slice %add3A_62 {offsets = [0, 0], sizes = [550, 512], strides = [1, 1]} : vector<600x512xf32> to vector<550x512xf32>
    %concatenate3A_261 = tpu.concatenate %broadcast_in_dim3A_29, %slice3A_260 in 0 : vector<50x512xf32>, vector<550x512xf32> -> vector<600x512xf32>
    %mul3A_262 = vector.broadcast %slice3A_2 : vector<600x1xf32> to vector<600x512xf32>
    %mul3A_263 = arith.mulf %concatenate3A_261, %mul3A_262 : vector<600x512xf32>
    %add3A_264 = arith.addf %mul3A_259, %mul3A_263 : vector<600x512xf32>
    %slice3A_265 = vector.extract_strided_slice %add3A_62 {offsets = [100, 0], sizes = [500, 512], strides = [1, 1]} : vector<600x512xf32> to vector<500x512xf32>
    %concatenate3A_266 = tpu.concatenate %slice3A_265, %broadcast_in_dim3A_31 in 0 : vector<500x512xf32>, vector<100x512xf32> -> vector<600x512xf32>
    %mul3A_267 = vector.broadcast %slice3A_3 : vector<600x1xf32> to vector<600x512xf32>
    %mul3A_268 = arith.mulf %concatenate3A_266, %mul3A_267 : vector<600x512xf32>
    %add3A_269 = arith.addf %add3A_264, %mul3A_268 : vector<600x512xf32>
    %slice3A_270 = vector.extract_strided_slice %add3A_62 {offsets = [0, 0], sizes = [500, 512], strides = [1, 1]} : vector<600x512xf32> to vector<500x512xf32>
    %concatenate3A_271 = tpu.concatenate %broadcast_in_dim3A_31, %slice3A_270 in 0 : vector<100x512xf32>, vector<500x512xf32> -> vector<600x512xf32>
    %mul3A_272 = vector.broadcast %slice3A_4 : vector<600x1xf32> to vector<600x512xf32>
    %mul3A_273 = arith.mulf %concatenate3A_271, %mul3A_272 : vector<600x512xf32>
    %add3A_274 = arith.addf %add3A_269, %mul3A_273 : vector<600x512xf32>
    %add3A_275 = arith.addf %add3A_255, %add3A_274 : vector<600x512xf32>
    %mul3A_276 = vector.broadcast %slice3A_8 : vector<600x1xf32> to vector<600x512xf32>
    %mul3A_277 = arith.mulf %add3A_275, %mul3A_276 : vector<600x512xf32>
    %get3A_278 = arith.constant 0 : index
    %get3A_279 = arith.constant 0 : index
    %get3A_280 = arith.constant 0 : index
    %get3A_281 = vector.load %arg7[%get3A_278, %get3A_279, %get3A_280] : memref<4x512x512xf32, #tpu.memory_space<vmem>>, vector<1x512x512xf32>
    %get3A_282 = vector.shape_cast %get3A_281 : vector<1x512x512xf32> to vector<512x512xf32>
    %dot_general3A_283 = arith.constant dense<0.000000e+00> : vector<600x512xf32>
    %dot_general3A_284 = tpu.matmul %mul3A_277, %get3A_282, %dot_general3A_283 {dimension_numbers = #tpu.dot_dimension_numbers<[1], [0], [0], [1], [0, 0, 1, 1], [], []>, transpose_lhs_hint = false} : vector<600x512xf32>, vector<512x512xf32>, vector<600x512xf32> -> vector<600x512xf32>
    %max3A_285 = arith.constant 0.000000e+00 : f32
    %max3A_286 = vector.broadcast %max3A_285 : f32 to vector<600x512xf32>
    %max3A_287 = arith.maximumf %dot_general3A_284, %max3A_286 : vector<600x512xf32>
    %add3A_288 = arith.addf %add3A_62, %max3A_287 : vector<600x512xf32>
    %slice3A_289 = vector.extract_strided_slice %add3A_288 {offsets = [1, 0], sizes = [599, 512], strides = [1, 1]} : vector<600x512xf32> to vector<599x512xf32>
    %concatenate3A_290 = tpu.concatenate %slice3A_289, %broadcast_in_dim3A_27 in 0 : vector<599x512xf32>, vector<1x512xf32> -> vector<600x512xf32>
    %mul3A_291 = vector.broadcast %slice3A_5 : vector<600x1xf32> to vector<600x512xf32>
    %mul3A_292 = arith.mulf %concatenate3A_290, %mul3A_291 : vector<600x512xf32>
    %slice3A_293 = vector.extract_strided_slice %add3A_288 {offsets = [0, 0], sizes = [599, 512], strides = [1, 1]} : vector<600x512xf32> to vector<599x512xf32>
    %concatenate3A_294 = tpu.concatenate %broadcast_in_dim3A_27, %slice3A_293 in 0 : vector<1x512xf32>, vector<599x512xf32> -> vector<600x512xf32>
    %mul3A_295 = vector.broadcast %slice3A_6 : vector<600x1xf32> to vector<600x512xf32>
    %mul3A_296 = arith.mulf %concatenate3A_294, %mul3A_295 : vector<600x512xf32>
    %add3A_297 = arith.addf %mul3A_292, %mul3A_296 : vector<600x512xf32>
    %slice3A_298 = vector.extract_strided_slice %add3A_288 {offsets = [50, 0], sizes = [550, 512], strides = [1, 1]} : vector<600x512xf32> to vector<550x512xf32>
    %concatenate3A_299 = tpu.concatenate %slice3A_298, %broadcast_in_dim3A_29 in 0 : vector<550x512xf32>, vector<50x512xf32> -> vector<600x512xf32>
    %mul3A_300 = vector.broadcast %slice3A : vector<600x1xf32> to vector<600x512xf32>
    %mul3A_301 = arith.mulf %concatenate3A_299, %mul3A_300 : vector<600x512xf32>
    %slice3A_302 = vector.extract_strided_slice %add3A_288 {offsets = [0, 0], sizes = [550, 512], strides = [1, 1]} : vector<600x512xf32> to vector<550x512xf32>
    %concatenate3A_303 = tpu.concatenate %broadcast_in_dim3A_29, %slice3A_302 in 0 : vector<50x512xf32>, vector<550x512xf32> -> vector<600x512xf32>
    %mul3A_304 = vector.broadcast %slice3A_2 : vector<600x1xf32> to vector<600x512xf32>
    %mul3A_305 = arith.mulf %concatenate3A_303, %mul3A_304 : vector<600x512xf32>
    %add3A_306 = arith.addf %mul3A_301, %mul3A_305 : vector<600x512xf32>
    %slice3A_307 = vector.extract_strided_slice %add3A_288 {offsets = [100, 0], sizes = [500, 512], strides = [1, 1]} : vector<600x512xf32> to vector<500x512xf32>
    %concatenate3A_308 = tpu.concatenate %slice3A_307, %broadcast_in_dim3A_31 in 0 : vector<500x512xf32>, vector<100x512xf32> -> vector<600x512xf32>
    %mul3A_309 = vector.broadcast %slice3A_3 : vector<600x1xf32> to vector<600x512xf32>
    %mul3A_310 = arith.mulf %concatenate3A_308, %mul3A_309 : vector<600x512xf32>
    %add3A_311 = arith.addf %add3A_306, %mul3A_310 : vector<600x512xf32>
    %slice3A_312 = vector.extract_strided_slice %add3A_288 {offsets = [0, 0], sizes = [500, 512], strides = [1, 1]} : vector<600x512xf32> to vector<500x512xf32>
    %concatenate3A_313 = tpu.concatenate %broadcast_in_dim3A_31, %slice3A_312 in 0 : vector<100x512xf32>, vector<500x512xf32> -> vector<600x512xf32>
    %mul3A_314 = vector.broadcast %slice3A_4 : vector<600x1xf32> to vector<600x512xf32>
    %mul3A_315 = arith.mulf %concatenate3A_313, %mul3A_314 : vector<600x512xf32>
    %add3A_316 = arith.addf %add3A_311, %mul3A_315 : vector<600x512xf32>
    %add3A_317 = arith.addf %add3A_297, %add3A_316 : vector<600x512xf32>
    %mul3A_318 = vector.broadcast %slice3A_8 : vector<600x1xf32> to vector<600x512xf32>
    %mul3A_319 = arith.mulf %add3A_317, %mul3A_318 : vector<600x512xf32>
    %get3A_320 = arith.constant 1 : index
    %get3A_321 = arith.constant 0 : index
    %get3A_322 = arith.constant 0 : index
    %get3A_323 = vector.load %arg7[%get3A_320, %get3A_321, %get3A_322] : memref<4x512x512xf32, #tpu.memory_space<vmem>>, vector<1x512x512xf32>
    %get3A_324 = vector.shape_cast %get3A_323 : vector<1x512x512xf32> to vector<512x512xf32>
    %dot_general3A_325 = arith.constant dense<0.000000e+00> : vector<600x512xf32>
    %dot_general3A_326 = tpu.matmul %mul3A_319, %get3A_324, %dot_general3A_325 {dimension_numbers = #tpu.dot_dimension_numbers<[1], [0], [0], [1], [0, 0, 1, 1], [], []>, transpose_lhs_hint = false} : vector<600x512xf32>, vector<512x512xf32>, vector<600x512xf32> -> vector<600x512xf32>
    %max3A_327 = arith.constant 0.000000e+00 : f32
    %max3A_328 = vector.broadcast %max3A_327 : f32 to vector<600x512xf32>
    %max3A_329 = arith.maximumf %dot_general3A_326, %max3A_328 : vector<600x512xf32>
    %add3A_330 = arith.addf %add3A_288, %max3A_329 : vector<600x512xf32>
    %slice3A_331 = vector.extract_strided_slice %add3A_330 {offsets = [1, 0], sizes = [599, 512], strides = [1, 1]} : vector<600x512xf32> to vector<599x512xf32>
    %concatenate3A_332 = tpu.concatenate %slice3A_331, %broadcast_in_dim3A_27 in 0 : vector<599x512xf32>, vector<1x512xf32> -> vector<600x512xf32>
    %mul3A_333 = vector.broadcast %slice3A_5 : vector<600x1xf32> to vector<600x512xf32>
    %mul3A_334 = arith.mulf %concatenate3A_332, %mul3A_333 : vector<600x512xf32>
    %slice3A_335 = vector.extract_strided_slice %add3A_330 {offsets = [0, 0], sizes = [599, 512], strides = [1, 1]} : vector<600x512xf32> to vector<599x512xf32>
    %concatenate3A_336 = tpu.concatenate %broadcast_in_dim3A_27, %slice3A_335 in 0 : vector<1x512xf32>, vector<599x512xf32> -> vector<600x512xf32>
    %mul3A_337 = vector.broadcast %slice3A_6 : vector<600x1xf32> to vector<600x512xf32>
    %mul3A_338 = arith.mulf %concatenate3A_336, %mul3A_337 : vector<600x512xf32>
    %add3A_339 = arith.addf %mul3A_334, %mul3A_338 : vector<600x512xf32>
    %slice3A_340 = vector.extract_strided_slice %add3A_330 {offsets = [50, 0], sizes = [550, 512], strides = [1, 1]} : vector<600x512xf32> to vector<550x512xf32>
    %concatenate3A_341 = tpu.concatenate %slice3A_340, %broadcast_in_dim3A_29 in 0 : vector<550x512xf32>, vector<50x512xf32> -> vector<600x512xf32>
    %mul3A_342 = vector.broadcast %slice3A : vector<600x1xf32> to vector<600x512xf32>
    %mul3A_343 = arith.mulf %concatenate3A_341, %mul3A_342 : vector<600x512xf32>
    %slice3A_344 = vector.extract_strided_slice %add3A_330 {offsets = [0, 0], sizes = [550, 512], strides = [1, 1]} : vector<600x512xf32> to vector<550x512xf32>
    %concatenate3A_345 = tpu.concatenate %broadcast_in_dim3A_29, %slice3A_344 in 0 : vector<50x512xf32>, vector<550x512xf32> -> vector<600x512xf32>
    %mul3A_346 = vector.broadcast %slice3A_2 : vector<600x1xf32> to vector<600x512xf32>
    %mul3A_347 = arith.mulf %concatenate3A_345, %mul3A_346 : vector<600x512xf32>
    %add3A_348 = arith.addf %mul3A_343, %mul3A_347 : vector<600x512xf32>
    %slice3A_349 = vector.extract_strided_slice %add3A_330 {offsets = [100, 0], sizes = [500, 512], strides = [1, 1]} : vector<600x512xf32> to vector<500x512xf32>
    %concatenate3A_350 = tpu.concatenate %slice3A_349, %broadcast_in_dim3A_31 in 0 : vector<500x512xf32>, vector<100x512xf32> -> vector<600x512xf32>
    %mul3A_351 = vector.broadcast %slice3A_3 : vector<600x1xf32> to vector<600x512xf32>
    %mul3A_352 = arith.mulf %concatenate3A_350, %mul3A_351 : vector<600x512xf32>
    %add3A_353 = arith.addf %add3A_348, %mul3A_352 : vector<600x512xf32>
    %slice3A_354 = vector.extract_strided_slice %add3A_330 {offsets = [0, 0], sizes = [500, 512], strides = [1, 1]} : vector<600x512xf32> to vector<500x512xf32>
    %concatenate3A_355 = tpu.concatenate %broadcast_in_dim3A_31, %slice3A_354 in 0 : vector<100x512xf32>, vector<500x512xf32> -> vector<600x512xf32>
    %mul3A_356 = vector.broadcast %slice3A_4 : vector<600x1xf32> to vector<600x512xf32>
    %mul3A_357 = arith.mulf %concatenate3A_355, %mul3A_356 : vector<600x512xf32>
    %add3A_358 = arith.addf %add3A_353, %mul3A_357 : vector<600x512xf32>
    %add3A_359 = arith.addf %add3A_339, %add3A_358 : vector<600x512xf32>
    %mul3A_360 = vector.broadcast %slice3A_8 : vector<600x1xf32> to vector<600x512xf32>
    %mul3A_361 = arith.mulf %add3A_359, %mul3A_360 : vector<600x512xf32>
    %get3A_362 = arith.constant 2 : index
    %get3A_363 = arith.constant 0 : index
    %get3A_364 = arith.constant 0 : index
    %get3A_365 = vector.load %arg7[%get3A_362, %get3A_363, %get3A_364] : memref<4x512x512xf32, #tpu.memory_space<vmem>>, vector<1x512x512xf32>
    %get3A_366 = vector.shape_cast %get3A_365 : vector<1x512x512xf32> to vector<512x512xf32>
    %dot_general3A_367 = arith.constant dense<0.000000e+00> : vector<600x512xf32>
    %dot_general3A_368 = tpu.matmul %mul3A_361, %get3A_366, %dot_general3A_367 {dimension_numbers = #tpu.dot_dimension_numbers<[1], [0], [0], [1], [0, 0, 1, 1], [], []>, transpose_lhs_hint = false} : vector<600x512xf32>, vector<512x512xf32>, vector<600x512xf32> -> vector<600x512xf32>
    %max3A_369 = arith.constant 0.000000e+00 : f32
    %max3A_370 = vector.broadcast %max3A_369 : f32 to vector<600x512xf32>
    %max3A_371 = arith.maximumf %dot_general3A_368, %max3A_370 : vector<600x512xf32>
    %add3A_372 = arith.addf %add3A_330, %max3A_371 : vector<600x512xf32>
    %slice3A_373 = vector.extract_strided_slice %add3A_372 {offsets = [1, 0], sizes = [599, 512], strides = [1, 1]} : vector<600x512xf32> to vector<599x512xf32>
    %concatenate3A_374 = tpu.concatenate %slice3A_373, %broadcast_in_dim3A_27 in 0 : vector<599x512xf32>, vector<1x512xf32> -> vector<600x512xf32>
    %mul3A_375 = vector.broadcast %slice3A_5 : vector<600x1xf32> to vector<600x512xf32>
    %mul3A_376 = arith.mulf %concatenate3A_374, %mul3A_375 : vector<600x512xf32>
    %slice3A_377 = vector.extract_strided_slice %add3A_372 {offsets = [0, 0], sizes = [599, 512], strides = [1, 1]} : vector<600x512xf32> to vector<599x512xf32>
    %concatenate3A_378 = tpu.concatenate %broadcast_in_dim3A_27, %slice3A_377 in 0 : vector<1x512xf32>, vector<599x512xf32> -> vector<600x512xf32>
    %mul3A_379 = vector.broadcast %slice3A_6 : vector<600x1xf32> to vector<600x512xf32>
    %mul3A_380 = arith.mulf %concatenate3A_378, %mul3A_379 : vector<600x512xf32>
    %add3A_381 = arith.addf %mul3A_376, %mul3A_380 : vector<600x512xf32>
    %slice3A_382 = vector.extract_strided_slice %add3A_372 {offsets = [50, 0], sizes = [550, 512], strides = [1, 1]} : vector<600x512xf32> to vector<550x512xf32>
    %concatenate3A_383 = tpu.concatenate %slice3A_382, %broadcast_in_dim3A_29 in 0 : vector<550x512xf32>, vector<50x512xf32> -> vector<600x512xf32>
    %mul3A_384 = vector.broadcast %slice3A : vector<600x1xf32> to vector<600x512xf32>
    %mul3A_385 = arith.mulf %concatenate3A_383, %mul3A_384 : vector<600x512xf32>
    %slice3A_386 = vector.extract_strided_slice %add3A_372 {offsets = [0, 0], sizes = [550, 512], strides = [1, 1]} : vector<600x512xf32> to vector<550x512xf32>
    %concatenate3A_387 = tpu.concatenate %broadcast_in_dim3A_29, %slice3A_386 in 0 : vector<50x512xf32>, vector<550x512xf32> -> vector<600x512xf32>
    %mul3A_388 = vector.broadcast %slice3A_2 : vector<600x1xf32> to vector<600x512xf32>
    %mul3A_389 = arith.mulf %concatenate3A_387, %mul3A_388 : vector<600x512xf32>
    %add3A_390 = arith.addf %mul3A_385, %mul3A_389 : vector<600x512xf32>
    %slice3A_391 = vector.extract_strided_slice %add3A_372 {offsets = [100, 0], sizes = [500, 512], strides = [1, 1]} : vector<600x512xf32> to vector<500x512xf32>
    %concatenate3A_392 = tpu.concatenate %slice3A_391, %broadcast_in_dim3A_31 in 0 : vector<500x512xf32>, vector<100x512xf32> -> vector<600x512xf32>
    %mul3A_393 = vector.broadcast %slice3A_3 : vector<600x1xf32> to vector<600x512xf32>
    %mul3A_394 = arith.mulf %concatenate3A_392, %mul3A_393 : vector<600x512xf32>
    %add3A_395 = arith.addf %add3A_390, %mul3A_394 : vector<600x512xf32>
    %slice3A_396 = vector.extract_strided_slice %add3A_372 {offsets = [0, 0], sizes = [500, 512], strides = [1, 1]} : vector<600x512xf32> to vector<500x512xf32>
    %concatenate3A_397 = tpu.concatenate %broadcast_in_dim3A_31, %slice3A_396 in 0 : vector<100x512xf32>, vector<500x512xf32> -> vector<600x512xf32>
    %mul3A_398 = vector.broadcast %slice3A_4 : vector<600x1xf32> to vector<600x512xf32>
    %mul3A_399 = arith.mulf %concatenate3A_397, %mul3A_398 : vector<600x512xf32>
    %add3A_400 = arith.addf %add3A_395, %mul3A_399 : vector<600x512xf32>
    %add3A_401 = arith.addf %add3A_381, %add3A_400 : vector<600x512xf32>
    %mul3A_402 = vector.broadcast %slice3A_8 : vector<600x1xf32> to vector<600x512xf32>
    %mul3A_403 = arith.mulf %add3A_401, %mul3A_402 : vector<600x512xf32>
    %get3A_404 = arith.constant 3 : index
    %get3A_405 = arith.constant 0 : index
    %get3A_406 = arith.constant 0 : index
    %get3A_407 = vector.load %arg7[%get3A_404, %get3A_405, %get3A_406] : memref<4x512x512xf32, #tpu.memory_space<vmem>>, vector<1x512x512xf32>
    %get3A_408 = vector.shape_cast %get3A_407 : vector<1x512x512xf32> to vector<512x512xf32>
    %dot_general3A_409 = arith.constant dense<0.000000e+00> : vector<600x512xf32>
    %dot_general3A_410 = tpu.matmul %mul3A_403, %get3A_408, %dot_general3A_409 {dimension_numbers = #tpu.dot_dimension_numbers<[1], [0], [0], [1], [0, 0, 1, 1], [], []>, transpose_lhs_hint = false} : vector<600x512xf32>, vector<512x512xf32>, vector<600x512xf32> -> vector<600x512xf32>
    %max3A_411 = arith.constant 0.000000e+00 : f32
    %max3A_412 = vector.broadcast %max3A_411 : f32 to vector<600x512xf32>
    %max3A_413 = arith.maximumf %dot_general3A_410, %max3A_412 : vector<600x512xf32>
    %add3A_414 = arith.addf %add3A_372, %max3A_413 : vector<600x512xf32>
    %add3A_415 = arith.addf %max3A_246, %add3A_414 : vector<600x512xf32>
    %swap3A = arith.constant 0 : index
    %swap3A_416 = arith.constant 0 : index
    %swap3A_417 = vector.load %arg14[%swap3A, %swap3A_416] : memref<600x512xf32, #tpu.memory_space<vmem>>, vector<600x512xf32>
    tpu.vector_store %arg14[%swap3A, %swap3A_416], %add3A_415 {strides = array<i32>} : memref<600x512xf32, #tpu.memory_space<vmem>>, vector<600x512xf32>,
    return
  }
  func.func @transform_0(%arg0: i32) -> (i32, i32) {
    %c0_i32 = arith.constant 0 : i32
    %c0_i32_0 = arith.constant 0 : i32
    return %arg0, %c0_i32 : i32, i32
  }
  func.func @transform_1(%arg0: i32) -> (i32, i32) {
    %c0_i32 = arith.constant 0 : i32
    %c0_i32_0 = arith.constant 0 : i32
    return %arg0, %c0_i32 : i32, i32
  }
  func.func @transform_2(%arg0: i32) -> (i32, i32) {
    %c0_i32 = arith.constant 0 : i32
    %c0_i32_0 = arith.constant 0 : i32
    %c0_i32_1 = arith.constant 0 : i32
    return %c0_i32, %c0_i32_0 : i32, i32
  }
  func.func @transform_3(%arg0: i32) -> (i32, i32) {
    %c0_i32 = arith.constant 0 : i32
    %c0_i32_0 = arith.constant 0 : i32
    %c0_i32_1 = arith.constant 0 : i32
    return %c0_i32, %c0_i32_0 : i32, i32
  }
  func.func @transform_4(%arg0: i32) -> (i32, i32) {
    %c0_i32 = arith.constant 0 : i32
    %c0_i32_0 = arith.constant 0 : i32
    %c0_i32_1 = arith.constant 0 : i32
    return %c0_i32, %c0_i32_0 : i32, i32
  }
  func.func @transform_5(%arg0: i32) -> (i32, i32, i32) {
    %c0_i32 = arith.constant 0 : i32
    %c0_i32_0 = arith.constant 0 : i32
    %c0_i32_1 = arith.constant 0 : i32
    %c0_i32_2 = arith.constant 0 : i32
    return %c0_i32, %c0_i32_0, %c0_i32_1 : i32, i32, i32
  }
  func.func @transform_6(%arg0: i32) -> (i32, i32, i32) {
    %c0_i32 = arith.constant 0 : i32
    %c0_i32_0 = arith.constant 0 : i32
    %c0_i32_1 = arith.constant 0 : i32
    %c0_i32_2 = arith.constant 0 : i32
    return %c0_i32, %c0_i32_0, %c0_i32_1 : i32, i32, i32
  }
  func.func @transform_7(%arg0: i32) -> (i32, i32) {
    %c0_i32 = arith.constant 0 : i32
    %c0_i32_0 = arith.constant 0 : i32
    %c0_i32_1 = arith.constant 0 : i32
    return %c0_i32, %c0_i32_0 : i32, i32
  }
  func.func @transform_8(%arg0: i32) -> (i32, i32) {
    %c0_i32 = arith.constant 0 : i32
    %c0_i32_0 = arith.constant 0 : i32
    %c0_i32_1 = arith.constant 0 : i32
    return %c0_i32, %c0_i32_0 : i32, i32
  }
  func.func @transform_9(%arg0: i32) -> (i32, i32) {
    %c0_i32 = arith.constant 0 : i32
    %c0_i32_0 = arith.constant 0 : i32
    return %arg0, %c0_i32 : i32, i32
  }
  func.func @transform_10(%arg0: i32) -> (i32, i32, i32) {
    %c0_i32 = arith.constant 0 : i32
    %c0_i32_0 = arith.constant 0 : i32
    %c0_i32_1 = arith.constant 0 : i32
    return %arg0, %c0_i32, %c0_i32_0 : i32, i32, i32
  }
  func.func @transform_11(%arg0: i32) -> (i32, i32, i32) {
    %c0_i32 = arith.constant 0 : i32
    %c0_i32_0 = arith.constant 0 : i32
    %c0_i32_1 = arith.constant 0 : i32
    return %arg0, %c0_i32, %c0_i32_0 : i32, i32, i32
  }
  func.func @transform_12(%arg0: i32) -> (i32, i32) {
    %c0_i32 = arith.constant 0 : i32
    %c0_i32_0 = arith.constant 0 : i32
    return %arg0, %c0_i32 : i32, i32
  }
  func.func @transform_13(%arg0: i32) -> (i32, i32) {
    %c0_i32 = arith.constant 0 : i32
    %c0_i32_0 = arith.constant 0 : i32
    return %arg0, %c0_i32 : i32, i32
  }
}

</mosaic_0001>

<sc_bundles>
// kernel: gather_offload_async_start.1
scs
__scs_entry_jumppad:
0x0: {  	(pc) =	sbr.rel $0x88, $3  }
0x1: {  	(tag) =	ssettag $0x0;
	lr =	simm.s32 $0x1  }
0x2: {  	[smem:$0x3F94] =	sst lr;
	_ =	strace $0xD0000000  }
0x3: {  	_ = 	snop  }
0x4: {  	_ = 	snop  }
0x5: {  	_ = 	snop  }
0x6: {  	_ = 	snop  }
0x7: {  	_ = 	snop  }
__scs_overlays_trampoline_lowered:
0x8: {  	[smem:$0x3FA3] =	sst s0  }
0x9: {  	[smem:$0x3FA4] =	sst s1  }
0xa: {  	[smem:$0x3FA5] =	sst s2  }
0xb: {  	[smem:$0x3FA6] =	sst s3  }
0xc: {  	[smem:$0x3FA7] =	sst s4  }
0xd: {  	[smem:$0x3FA8] =	sst s5  }
0xe: {  	[smem:$0x3FA9] =	sst s6  }
0xf: {  	[smem:$0x3FAA] =	sst s7  }
0x10: {  	[smem:$0x3FAB] =	sst s8  }
0x11: {  	[smem:$0x3FAC] =	sst s9;
	s0 =	simm.s32 @!p0 $0x0  }
0x12: {  	s1 =	sld [smem:$0x3F92];
	s0 =	simm.s32 @p0 $0x1  }
0x13: {  	[smem:$0x3FAD] =	sst s0;
	s0 =	simm.s32 @!p1 $0x0  }
0x14: {  	s2 =	sld [smem:$0x3F91];
	s0 =	simm.s32 @p1 $0x1  }
0x15: {  	[smem:$0x3FAE] =	sst s0;
	s0 =	simm.s32 @!p2 $0x0  }
0x16: {  	s3 =	sld [smem:$0x3FDB];
	s0 =	simm.s32 @p2 $0x1  }
0x17: {  	s4 =	simm.s32 $0x1BF5;
	[smem:$0x3FB0] =	sst s0  }
0x18: {  	s0 =	sld [smem:$0x3F93];
	_ =	swait.ge [sflag:s4], $0x0  }
0x19: {  	s7 =	sld [smem:$0x3F94]  }
0x1a: {  	s8 =	sadd.s32 $0xFFFFE003, lr  }
0x1b: {  	s9 =	sadd.s32 $0xFFFFFEF7, lr;
	s5 =	simm.s32 $0xFFFFFFFF;
	p2 =	slt.u32 s8, $0xFFFFF086  }
0x1c: {  	p1 =	slt.u32 s9, $0xF7A;
	s5 =	simm.s32 @!p2 $0x0  }
0x1d: {  	s5 =	simm.s32 @p1 $0x1;
	p0 =	seq.s32 s7, s2  }
0x1e: {  	s7 =	smul.u32 @!p0 $0xF7A, s2;
	p2 =	seq.s32 @!p0 s5, $0x0  }
0x1f: {  	s9 =	smul.u32 $0xF7A, s1;
	s8 =	simm.s32 @!p0 $0x1BF5;
	p2 =	por !p2, p0  }
0x20: {  	[sflag:s8] =	ssyncset.s32 @!p0 $0xFFFFF086;
	s6 =	sadd.s32 @!p0 s3, s7;
	s7 =	simm.s32 @!p0 $0x108  }
0x21: {  	s3 =	sadd.s32 s3, s9;
	s6 =	sadd.s32 @!p0 $0x88, s6;
	s7 =	simm.s32 @p2 $0x1082  }
0x22: {  	[simem:s7], [sflag:s8] =	dma.local @!p0 [hbm:s6], $0xF7A  }
0x23: {  	s9 =	sor.u32 $0xD0000000, s2;
	s6 =	simm.s32 $0x108;
	_ =	swait.ge @!p0 [sflag:s8], $0x0  }
0x24: {  	s3 =	sadd.s32 $0x88, s3;
	s6 =	simm.s32 @!p1 $0x1082;
	[sflag:s4] =	ssyncset.s32 $0xFFFFF086  }
0x25: {  	[simem:s6], [sflag:s4] =	dma.local [hbm:s3], $0xF7A  }
0x26: {  	[smem:$0x3F94] =	sst s1;
	(tag) =	ssettag s2;
	_ =	strace s9  }
0x27: {  	s1 =	sld [smem:$0x3FA4]  }
0x28: {  	s2 =	sld [smem:$0x3FA5]  }
0x29: {  	s4 =	sld [smem:$0x3FA7]  }
0x2a: {  	p0 =	seq.s32 s5, $0x0;
	s5 =	sld [smem:$0x3FA8]  }
0x2b: {  	s6 =	sld [smem:$0x3FA9]  }
0x2c: {  	s7 =	sld [smem:$0x3FAA]  }
0x2d: {  	s3 =	simm.s32 $0x108;
	s8 =	sld [smem:$0x3FAB]  }
0x2e: {  	s3 =	simm.s32 @!p0 $0x1082;
	s9 =	sld [smem:$0x3FAC]  }
0x2f: {  	lr =	sadd.s32 s0, s3;
	s0 =	sld [smem:$0x3FA3]  }
0x30: {  	s3 =	sld [smem:$0x3FA6]  }
0x31: {  	[smem:$0x3FAF] =	sst s10  }
0x32: {  	s10 =	sld [smem:$0x3FAD];
	_ =	sdelay $0x3  }
0x33: {  	p0 =	seq.s32 s10, $0x1;
	s10 =	sld [smem:$0x3FAF];
	_ =	sdelay $0x3  }
0x34: {  	[smem:$0x3FAF] =	sst s10  }
0x35: {  	s10 =	sld [smem:$0x3FAE];
	_ =	sdelay $0x3  }
0x36: {  	p1 =	seq.s32 s10, $0x1;
	s10 =	sld [smem:$0x3FAF];
	_ =	sdelay $0x3  }
0x37: {  	[smem:$0x3FAF] =	sst s10  }
0x38: {  	s10 =	sld [smem:$0x3FB0]  }
0x39: {  	_ = 	snop;
	(pc) =	sbr.ind lr, $3  }
0x3a: {  	_ = 	snop  }
0x3b: {  	_ = 	snop  }
0x3c: {  	p2 =	seq.s32 s10, $0x1;
	s10 =	sld [smem:$0x3FAF]  }
0x3d: {  	_ =	shalt  }
0x3e: {  	_ =	shalt  }
0x3f: {  	_ =	shalt  }
0x40: {  	_ =	shalt  }
0x41: {  	_ =	shalt  }
0x42: {  	_ =	shalt  }
0x43: {  	_ =	shalt  }
0x44: {  	_ =	shalt  }
0x45: {  	_ =	shalt  }
0x46: {  	_ =	shalt  }
0x47: {  	_ =	shalt  }
0x48: {  	_ =	shalt  }
0x49: {  	_ =	shalt  }
0x4a: {  	_ =	shalt  }
0x4b: {  	_ =	shalt  }
0x4c: {  	_ =	shalt  }
0x4d: {  	_ =	shalt  }
0x4e: {  	_ =	shalt  }
0x4f: {  	_ =	shalt  }
0x50: {  	_ =	shalt  }
0x51: {  	_ =	shalt  }
0x52: {  	_ =	shalt  }
0x53: {  	_ =	shalt  }
0x54: {  	_ =	shalt  }
0x55: {  	_ =	shalt  }
0x56: {  	_ =	shalt  }
0x57: {  	_ =	shalt  }
0x58: {  	_ =	shalt  }
0x59: {  	_ =	shalt  }
0x5a: {  	_ =	shalt  }
0x5b: {  	_ =	shalt  }
0x5c: {  	_ =	shalt  }
0x5d: {  	_ =	shalt  }
0x5e: {  	_ =	shalt  }
0x5f: {  	_ =	shalt  }
0x60: {  	_ =	shalt  }
0x61: {  	_ =	shalt  }
0x62: {  	_ =	shalt  }
0x63: {  	_ =	shalt  }
0x64: {  	_ =	shalt  }
0x65: {  	_ =	shalt  }
0x66: {  	_ =	shalt  }
0x67: {  	_ =	shalt  }
0x68: {  	_ =	shalt  }
0x69: {  	_ =	shalt  }
0x6a: {  	_ =	shalt  }
0x6b: {  	_ =	shalt  }
0x6c: {  	_ =	shalt  }
0x6d: {  	_ =	shalt  }
0x6e: {  	_ =	shalt  }
0x6f: {  	_ =	shalt  }
0x70: {  	_ =	shalt  }
0x71: {  	_ =	shalt  }
0x72: {  	_ =	shalt  }
0x73: {  	_ =	shalt  }
0x74: {  	_ =	shalt  }
0x75: {  	_ =	shalt  }
0x76: {  	_ =	shalt  }
0x77: {  	_ =	shalt  }
0x78: {  	_ =	shalt  }
0x79: {  	_ =	shalt  }
0x7a: {  	_ =	shalt  }
0x7b: {  	_ =	shalt  }
0x7c: {  	_ =	shalt  }
0x7d: {  	_ =	shalt  }
0x7e: {  	_ =	shalt  }
0x7f: {  	_ =	shalt  }
0x80: {  	_ =	shalt  }
0x81: {  	_ =	shalt  }
0x82: {  	_ =	shalt  }
0x83: {  	_ =	shalt  }
0x84: {  	_ =	shalt  }
0x85: {  	_ =	shalt  }
0x86: {  	_ =	shalt  }
0x87: {  	_ =	shalt  }
.Lfunc_end0:
.L_simem_size_0:
called_computation.1_lowered:
.L_overlay_start_0:
0x88: {  	s2 =	sld [smem:$0x3FD9]  }
0x89: {  	s3 =	sld [smem:$0x3FFE];
	_ =	sdelay $0x1  }
0x8a: {  	s1 =	srdreg.scid  }
0x8b: {  	s0 =	sand.u32 $0x1, s1  }
0x8c: {  	s17 =	sshll.u32 s0, $0xA;
	s2 =	sadd.s32 s3, s2  }
0x8d: {  	s2 =	sadd.s32 s2, s17  }
0x8e: {  	[smem:$0x3FBB] =	sst s2  }
0x8f: {  	_ = 	snop  }
0x90: {  	s18 =	sld [smem:$0x3FC1]  }
0x91: {  	s4 =	sld [smem:$0x3FD0];
	(tm) =	ssettm $0x1  }
0x92: {  	s19 =	sld [smem:$0x3FFB];
	_ =	sdelay $0x3  }
0x93: {  	_ =	strace s19  }
0x94: {  	s2 =	sld [smem:$0x3FFC];
	_ =	sdelay $0x3  }
0x95: {  	_ =	strace s2  }
0x96: {  	s2 =	sld [smem:$0x3FFD];
	_ =	sdelay $0x3  }
0x97: {  	_ =	strace s2  }
0x98: {  	_ =	strace $0x8FFFFFFF  }
0x99: {  	s20 =	sld [smem:$0x3FDB];
	_ =	sdelay $0x1  }
0x9a: {  	s5 =	simm.s32 $_scs_section_size  }
0x9b: {  	s6 =	simm.s32 $_size__tile_overlayer_lowered;
	s7 =	simm.s32 $_tile_overlayer_lowered  }
0x9c: {  	s8 =	simm.s32 $0x1BFF;
	s21 =	sshll.u32 s7, $0x1;
	s5 =	sadd.s32 s5, s20  }
0x9d: {  	s22 =	simm.s32 $0x0;
	s6 =	sshll.u32 s6, $0x1;
	s7 =	sadd.s32 s21, s5  }
0x9e: {  	[timem:s22], [sflag:s8] =	dma.local [hbm:s7], s6  }
0x9f: {  	_ =	swait.ge [sflag:s8], s6  }
0xa0: {  	s6 =	ssub.s32 $0x0, s6;
	[sflag:s8] =	ssyncset.done $0x0  }
0xa1: {  	[sflag:s8] =	ssyncadd.s32 s6;
	_ =	sdelay $0x1  }
0xa2: {  	s23 =	simm.s32 $0x1B8B  }
0xa3: {  	_ =	swait.ge [sflag:s23], $0x1  }
0xa4: {  	[sflag:s23] =	ssyncset.done $0x0  }
0xa5: {  	[sflag:s23] =	ssyncadd.s32 $0xFFFFFFFF  }
0xa6: {  	s6 =	sld [smem:$0x0]  }
0xa7: {  	s7 =	sand.u32 $0xFFFFFFFE, s1  }
0xa8: {  	p0 =	sne.s32 s1, s7  }
0xa9: {  	s7 =	sshll.u32 @p0 s7, $0xE  }
0xaa: {  	s7 =	sadd.s32 @p0 $0x11B8D, s7;
	s8 =	sshll.u32 @p0 s6, $0x11  }
0xab: {  	s7 =	sor.u32 @p0 s8, s7  }
0xac: {  	[sflag:s7] =	ssyncadd.remote.s32 @p0 $0x1;
	_ =	sdelay $0x1  }
0xad: {  	s7 =	simm.s32 @p0 $0x1B8D  }
0xae: {  	_ =	swait.eq @p0 [sflag:s7], $0x1  }
0xaf: {  	[sflag:s7] =	ssyncadd.s32 @p0 $0xFFFFFFFF  }
0xb0: {  	s8 =	sshll.u32 @!p0 s1, $0xE  }
0xb1: {  	s8 =	sor.u32 @!p0 $0x4000, s8;
	s7 =	simm.s32 @!p0 $0x1B8D  }
0xb2: {  	s6 =	sshll.u32 @!p0 s6, $0x11;
	s8 =	sadd.s32 @!p0 $0x11B8D, s8;
	_ =	swait.eq @!p0 [sflag:s7], $0x1  }
0xb3: {  	s6 =	sor.u32 @!p0 s6, s8;
	[sflag:s7] =	ssyncadd.s32 @!p0 $0xFFFFFFFF  }
0xb4: {  	s25 =	simm.s32 $0x1B8E;
	s24 =	sld [smem:$0x3FFE];
	[sflag:s6] =	ssyncadd.remote.s32 @!p0 $0x1  }
0xb5: {  	s26 =	simm.s32 $execute0_lowered;
	[smem:$0x3FD2] =	sst s25  }
0xb6: {  	s7 =	sshll.u32 s26, $0x1;
	_ =	strace $0x80000049;
	[dreg:$0x1] =	wrdreg $0xFFFFFFFF  }
0xb7: {  	s28 =	simm.s32 $_size_execute0_lowered;
	s5 =	sadd.s32 s5, s7;
	[dreg:$0x0] =	wrdreg $0x0  }
0xb8: {  	s7 =	sshll.u32 s28, $0x1;
	[dreg:$0x2] =	wrdreg s5  }
0xb9: {  	[dreg:$0x3] =	wrdreg s7  }
0xba: {  	[dreg:$0x4] =	wrdreg $0xC0  }
0xbb: {  	_ =	task [dreg:s22], $0x5FFFF  }
0xbc: {  	[dreg:$0x1] =	wrdreg $0xFFFFFFFF  }
0xbd: {  	[dreg:$0x0] =	wrdreg $0x60  }
0xbe: {  	[dreg:$0x2] =	wrdreg s18  }
0xbf: {  	[dreg:$0x3] =	wrdreg s4  }
0xc0: {  	[dreg:$0x4] =	wrdreg s24  }
0xc1: {  	[dreg:$0x5] =	wrdreg $0xA  }
0xc2: {  	_ =	task.clear_ibuf [dreg:s22], $0x6FFFF;
	_ =	strace $0x90000049  }
0xc3: {  	s29 =	simm.s32 $0xA;
	_ =	strace $0x8000004B  }
0xc4: {  	_ =	swait.ge [sflag:s29], $0x1  }
0xc5: {  	[sflag:s29] =	ssyncadd.s32 $0xFFFFFFFF  }
0xc6: {  	_ =	strace $0x9000004B  }
0xc7: {  	_ =	sfence  }
0xc8: {  	s30 =	sld [smem:$0x0];
	_ =	sdelay $0x2  }
0xc9: {  	s31 =	sshll.u32 s1, $0xD;
	s1 =	sshrl.u32 s1, $0x2  }
0xca: {  	s4 =	sand.u32 $0x4000, s31;
	s1 =	sadd.s32 s1, s30  }
0xcb: {  	s0 =	sor.u32 s4, s0;
	s1 =	sshll.u32 s1, $0x11  }
0xcc: {  	s0 =	sor.u32 s1, s0  }
0xcd: {  	s0 =	sadd.s32 $0x8F2B, s0  }
0xce: {  	[sflag:s0] =	ssyncadd.remote.s32 $0x1  }
0xcf: {  	_ =	sfence.sel $0xFFFF  }
0xd0: {  	[dreg:$0x0] =	wrdreg $0xFFFFFFFF;
	(pc) =	sbr.abs _section_cstart, $3  }
0xd1: {  	[dreg:$0x1] =	wrdreg $0xFFFFFFFF  }
0xd2: {  	_ =	task.clear_ibuf [dreg:s22], $0x2FFFF;
	_ =	strace $0x9FFFFFFF  }
0xd3: {  	(tm) =	ssettm $0x7FFFFFFF  }
tec
execute0_lowered:
.L_overlay_start_1:
0x0: {  	(tag) =	ssettag $0x1  }
0x1: {  	s2 =	rddreg [dreg:$0x0]  }
0x2: {  	s3 =	rddreg [dreg:$0x1]  }
0x3: {  	s8 =	rddreg [dreg:$0x2];
	s1 =	stileid.u32  }
0x4: {  	s4 =	srdreg.scid;
	s0 =	rddreg [dreg:$0x3];
	_ =	strace $0x8000004A  }
0x5: {  	s7 =	simm.s32 $0x1;
	s9 =	simm.s32 $0x1;
	s10 =	simm.s32 $0x3  }
0x6: {  	s13 =	simm.s32 $0x0;
	s5 =	sand.u32 $0x1, s4;
	s6 =	sshll.u32 s1, $0x1  }
0x7: {  	s12 =	simm.s32 $0x0;
	s4 =	simm.s32 $0x1;
	s5 =	sor.u32 s6, s5  }
.Ltmp0:
0x8: {  	[sflag:s4] =	ssyncpa.u1 $0x0;
	p0 =	slt.u32 s5, $0x13;
	(pc) =	sbr.rel .LBB2_1-.Ltmp0, $4  }
0x9: {  	s6 =	simm.s32 $0x2;
	s7 =	simm.s32 @!p0 $0x0;
	p0 =	sne.s32 s5, $0x12  }
0xa: {  	[sflag:s6] =	ssyncpa.u1 $0x0;
	s5 =	smul.u32 $0x30, s5;
	s9 =	simm.s32 @!p0 $0x0  }
0xb: {  	s8 =	sadd.s32 $0x3000, s8;
	[sflag:s10] =	ssyncpa.u1 $0x0;
	s7 =	sadd.s32 s9, s7  }
0xc: {  	vm0 =	vmmov $0xffff;
	s10 =	simm.s32 $0x0;
	s11 =	smov.u32 s5;
	s9 =	sadd.s32 $0x1, s7  }
.LBB2_4:
0xd: {  	v0 =	vnsel vm1, $0x0, v0  }
0xe: {  	v0 =	vmin.u32 v0, $0x144F;
	_ =	sdelay $0x3  }
0xf: {  	(ifvalue) =	ssetifvalue $0x7FFFFFFF;
	s15 =	sadd.s32 $0x10, s15  }
0x10: {  	[tilespmem:s15], [sflag:$0x1] =	stream.indirect_vreg.gather [hbm4b:s2+s10], $0x1, v0, vm0, $0x4038;
	[tilespmem:$0xC0] =	vst v63  }
0x11: {  	_ =	swait.ge [sflag:s4], $0x30  }
0x12: {  	s30 =	sshrl.u32 s13, $0x3;
	[sflag:s4] =	ssyncset.done $0x0  }
0x13: {  	s31 =	sand.u32 $0x7, s13;
	s15 =	sadd.s32 s8, s30;
	[sflag:s4] =	ssyncadd.s32 $0xFFFFFFD0  }
0x14: {  	[hbm4b:s15+s31] =	stream.linear.scatter [tilespmem:s14], [sflag:$0x3], $0x30, $0x38;
	[tilespmem:$0xC0] =	vst v63  }
.LBB2_5:
0x15: {  	s15 =	sadd.s32 $0x600, s11  }
0x16: {  	p1 =	sgt.s32 s15, $0x95F  }
0x17: {  	s15 =	smov.u32 @p1 s5;
	p1 =	sne.s32 s12, s9  }
.Ltmp1:
0x18: {  	p0 =	slt.u32 s12, $0x2;
	(pc) =	sbr.rel @!p1 .LBB2_6-.Ltmp1, $4  }
0x19: {  	s14 =	simm.s32 @!p0 $0x3  }
0x1a: {  	_ =	swait.ge @!p0 [sflag:s14], $0x30  }
0x1b: {  	s16 =	sadd.s32 $0x1, s12;
	s13 =	smov.u32 s11;
	[sflag:s14] =	ssyncset.done @!p0 $0x0  }
0x1c: {  	s12 =	smov.u32 s16;
	s11 =	smov.u32 s15;
	[sflag:s14] =	ssyncadd.s32 @!p0 $0xFFFFFFD0  }
.LBB2_1:
0x1d: {  	p0 =	sge.u32 s12, s7  }
0x1e: {  	s14 =	sxor.u32 @!p0 $0x1, s12  }
0x1f: {  	s14 =	smul.u32 @!p0 $0xC0, s14  }
0x20: {  	s31 =	sadd.s32 $0xFFFFFFFF, s12;
	s15 =	sshrl.u32 @!p0 s11, $0x3  }
0x21: {  	s16 =	sand.u32 @!p0 $0x7, s11;
	s15 =	sadd.s32 @!p0 s3, s15;
	s14 =	sshra.s32 @!p0 s14, $0x2  }
0x22: {  	[tilespmem:s14], [sflag:$0x2] =	stream.linear.gather @!p0 [hbm4b:s15+s16], $0x30, $0x38;
	[tilespmem:$0xC0] =	vst v63  }
0x23: {  	p0 =	sge.u32 s31, s7  }
.Ltmp2:
0x24: {  	_ = 	snop;
	(pc) =	sbr.rel @p0 .LBB2_5-.Ltmp2, $1  }
0x25: {  	_ =	sdelay $0x3  }
0x26: {  	s14 =	sand.u32 $0x1, s12  }
0x27: {  	_ =	swait.ge [sflag:s6], $0x30;
	p0 =	seq.s32 s14, $0x1;
	s14 =	simm.s32 $0x30  }
0x28: {  	[sflag:s6] =	ssyncset.done $0x0;
	s14 =	simm.s32 @!p0 $0x0  }
0x29: {  	[sflag:s6] =	ssyncadd.s32 $0xFFFFFFD0;
	(ifvalue) =	ssetifvalue $0x7FFFFFFF;
	v0 =	vld.msk [tilespmem:s14+$0x0 ss:$0x1], $0xffff;
	_ =	sdelay $0x4  }
0x2a: {  	vm1 =	vgt.s32 v0, $0x0  }
0x2b: {  	s15 =	sadd.s32 $0x10, s14;
	v0 =	vnsel vm1, $0x0, v0  }
0x2c: {  	v1 =	vmin.u32 v0, $0x144F;
	v0 =	vld.msk [tilespmem:s15+$0x0 ss:$0x1], $0xffff;
	_ =	sdelay $0x2  }
0x2d: {  	s16 =	simm.s32 $0x10;
	s14 =	sadd.s32 $0x60, s14  }
0x2e: {  	s17 =	sadd.s32 $0x10, s15;
	(ifvalue) =	ssetifvalue $0x7FFFFFFF;
	s15 =	smov.u32 s14  }
0x2f: {  	[tilespmem:s14], [sflag:$0x1] =	stream.indirect_vreg.gather [hbm4b:s2+s10], $0x1, v1, vm0, $0x4038;
	vm1 =	vgt.s32 v0, $0x0;
	[tilespmem:$0xC0] =	vst v63  }
.LBB2_3:
0x30: {  	s16 =	sadd.s32 $0x10, s16;
	v1 =	vnsel vm1, $0x0, v0;
	v0 =	vld.msk [tilespmem:s17+$0x0 ss:$0x1], $0xffff  }
0x31: {  	p0 =	slt.u32 s16, $0x20;
	v1 =	vmin.u32 v1, $0x144F  }
.Ltmp3:
0x32: {  	(pc) =	sbr.rel @p0 .LBB2_3-.Ltmp3, $3  }
0x33: {  	_ =	sdelay $0x1  }
0x34: {  	s17 =	sadd.s32 $0x10, s17;
	s15 =	sadd.s32 $0x10, s15;
	(ifvalue) =	ssetifvalue $0x7FFFFFFF  }
0x35: {  	vm1 =	vgt.s32 v0, $0x0;
	[tilespmem:s15], [sflag:$0x1] =	stream.indirect_vreg.gather [hbm4b:s2+s10], $0x1, v1, vm0, $0x4038;
	[tilespmem:$0xC0] =	vst v63  }
.Ltmp4:
0x36: {  	_ = 	snop;
	(pc) =	sbr.rel .LBB2_4-.Ltmp4, $1  }
0x37: {  	_ =	sdelay $0x3  }
.LBB2_6:
0x38: {  	_ =	sfence.sel $0x180000  }
0x39: {  	s2 =	simm.s32 $0x2;
	[bflag:$0x0] =	sbarrier.arrive $0xFFFF  }
0x3a: {  	s30 =	simm.s32 $0x3;
	[sflag:s2] =	ssyncpa.u1 $0x1  }
0x3b: {  	s31 =	simm.s32 $0x1;
	[sflag:s30] =	ssyncpa.u1 $0x1  }
0x3c: {  	[sflag:s31] =	ssyncpa.u1 $0x1  }
0x3d: {  	p0 =	sne.s32 s1, $0x0;
	_ =	strace $0x9000004A  }
0x3e: {  	s0 =	sadd.s32 @!p0 $0x100000, s0;
	[bflag:$0x2] =	sbarrier.arrive $0xFFFF  }
0x3f: {  	[sflag:s0] =	ssyncadd.tile.s32 @!p0 $0x1;
	_ =	shalt  }
.Lfunc_end2:
_tile_overlayer_lowered:
.L_overlay_start_2:
0x40: {  	(tag) =	ssettag $0x2  }
0x41: {  	s0 =	rddreg [dreg:$0x0];
	s2 =	stileid.u32  }
0x42: {  	s1 =	rddreg [dreg:$0x1];
	p0 =	sne.s32 s2, $0x0  }
0x43: {  	s3 =	rddreg [dreg:$0x2];
	[bflag:$0x3] =	sbarrier.arrive $0xFFFF;
	s2 =	simm.s32 @!p0 $0x1C01  }
0x44: {  	[timem:s3], [sflag:s2] =	dma.local @!p0 [hbm:s0], s1  }
0x45: {  	s0 =	simm.s32 @!p0 $0x1  }
0x46: {  	_ =	swait.ge @!p0 [sflag:s0], s1  }
0x47: {  	s1 =	ssub.s32 @!p0 $0x0, s1;
	[sflag:s0] =	ssyncset.done @!p0 $0x0  }
0x48: {  	[sflag:s0] =	ssyncadd.s32 @!p0 s1  }
0x49: {  	[bflag:$0x3] =	sbarrier.arrive $0xFFFF  }
0x4a: {  	_ =	shalt  }

// kernel: gather_offload_async_start
scs
__scs_entry_jumppad:
0x0: {  	(pc) =	sbr.rel $0x88, $3  }
0x1: {  	(tag) =	ssettag $0x0;
	lr =	simm.s32 $0x1  }
0x2: {  	[smem:$0x3F94] =	sst lr;
	_ =	strace $0xD0000000  }
0x3: {  	_ = 	snop  }
0x4: {  	_ = 	snop  }
0x5: {  	_ = 	snop  }
0x6: {  	_ = 	snop  }
0x7: {  	_ = 	snop  }
__scs_overlays_trampoline_lowered:
0x8: {  	[smem:$0x3FA3] =	sst s0  }
0x9: {  	[smem:$0x3FA4] =	sst s1  }
0xa: {  	[smem:$0x3FA5] =	sst s2  }
0xb: {  	[smem:$0x3FA6] =	sst s3  }
0xc: {  	[smem:$0x3FA7] =	sst s4  }
0xd: {  	[smem:$0x3FA8] =	sst s5  }
0xe: {  	[smem:$0x3FA9] =	sst s6  }
0xf: {  	[smem:$0x3FAA] =	sst s7  }
0x10: {  	[smem:$0x3FAB] =	sst s8  }
0x11: {  	[smem:$0x3FAC] =	sst s9;
	s0 =	simm.s32 @!p0 $0x0  }
0x12: {  	s1 =	sld [smem:$0x3F92];
	s0 =	simm.s32 @p0 $0x1  }
0x13: {  	[smem:$0x3FAD] =	sst s0;
	s0 =	simm.s32 @!p1 $0x0  }
0x14: {  	s2 =	sld [smem:$0x3F91];
	s0 =	simm.s32 @p1 $0x1  }
0x15: {  	[smem:$0x3FAE] =	sst s0;
	s0 =	simm.s32 @!p2 $0x0  }
0x16: {  	s3 =	sld [smem:$0x3FDB];
	s0 =	simm.s32 @p2 $0x1  }
0x17: {  	s4 =	simm.s32 $0x1BF5;
	[smem:$0x3FB0] =	sst s0  }
0x18: {  	s0 =	sld [smem:$0x3F93];
	_ =	swait.ge [sflag:s4], $0x0  }
0x19: {  	s7 =	sld [smem:$0x3F94]  }
0x1a: {  	s8 =	sadd.s32 $0xFFFFE003, lr  }
0x1b: {  	s9 =	sadd.s32 $0xFFFFFEF7, lr;
	s5 =	simm.s32 $0xFFFFFFFF;
	p2 =	slt.u32 s8, $0xFFFFF086  }
0x1c: {  	p1 =	slt.u32 s9, $0xF7A;
	s5 =	simm.s32 @!p2 $0x0  }
0x1d: {  	s5 =	simm.s32 @p1 $0x1;
	p0 =	seq.s32 s7, s2  }
0x1e: {  	s7 =	smul.u32 @!p0 $0xF7A, s2;
	p2 =	seq.s32 @!p0 s5, $0x0  }
0x1f: {  	s9 =	smul.u32 $0xF7A, s1;
	s8 =	simm.s32 @!p0 $0x1BF5;
	p2 =	por !p2, p0  }
0x20: {  	[sflag:s8] =	ssyncset.s32 @!p0 $0xFFFFF086;
	s6 =	sadd.s32 @!p0 s3, s7;
	s7 =	simm.s32 @!p0 $0x108  }
0x21: {  	s3 =	sadd.s32 s3, s9;
	s6 =	sadd.s32 @!p0 $0x88, s6;
	s7 =	simm.s32 @p2 $0x1082  }
0x22: {  	[simem:s7], [sflag:s8] =	dma.local @!p0 [hbm:s6], $0xF7A  }
0x23: {  	s9 =	sor.u32 $0xD0000000, s2;
	s6 =	simm.s32 $0x108;
	_ =	swait.ge @!p0 [sflag:s8], $0x0  }
0x24: {  	s3 =	sadd.s32 $0x88, s3;
	s6 =	simm.s32 @!p1 $0x1082;
	[sflag:s4] =	ssyncset.s32 $0xFFFFF086  }
0x25: {  	[simem:s6], [sflag:s4] =	dma.local [hbm:s3], $0xF7A  }
0x26: {  	[smem:$0x3F94] =	sst s1;
	(tag) =	ssettag s2;
	_ =	strace s9  }
0x27: {  	s1 =	sld [smem:$0x3FA4]  }
0x28: {  	s2 =	sld [smem:$0x3FA5]  }
0x29: {  	s4 =	sld [smem:$0x3FA7]  }
0x2a: {  	p0 =	seq.s32 s5, $0x0;
	s5 =	sld [smem:$0x3FA8]  }
0x2b: {  	s6 =	sld [smem:$0x3FA9]  }
0x2c: {  	s7 =	sld [smem:$0x3FAA]  }
0x2d: {  	s3 =	simm.s32 $0x108;
	s8 =	sld [smem:$0x3FAB]  }
0x2e: {  	s3 =	simm.s32 @!p0 $0x1082;
	s9 =	sld [smem:$0x3FAC]  }
0x2f: {  	lr =	sadd.s32 s0, s3;
	s0 =	sld [smem:$0x3FA3]  }
0x30: {  	s3 =	sld [smem:$0x3FA6]  }
0x31: {  	[smem:$0x3FAF] =	sst s10  }
0x32: {  	s10 =	sld [smem:$0x3FAD];
	_ =	sdelay $0x3  }
0x33: {  	p0 =	seq.s32 s10, $0x1;
	s10 =	sld [smem:$0x3FAF];
	_ =	sdelay $0x3  }
0x34: {  	[smem:$0x3FAF] =	sst s10  }
0x35: {  	s10 =	sld [smem:$0x3FAE];
	_ =	sdelay $0x3  }
0x36: {  	p1 =	seq.s32 s10, $0x1;
	s10 =	sld [smem:$0x3FAF];
	_ =	sdelay $0x3  }
0x37: {  	[smem:$0x3FAF] =	sst s10  }
0x38: {  	s10 =	sld [smem:$0x3FB0]  }
0x39: {  	_ = 	snop;
	(pc) =	sbr.ind lr, $3  }
0x3a: {  	_ = 	snop  }
0x3b: {  	_ = 	snop  }
0x3c: {  	p2 =	seq.s32 s10, $0x1;
	s10 =	sld [smem:$0x3FAF]  }
0x3d: {  	_ =	shalt  }
0x3e: {  	_ =	shalt  }
0x3f: {  	_ =	shalt  }
0x40: {  	_ =	shalt  }
0x41: {  	_ =	shalt  }
0x42: {  	_ =	shalt  }
0x43: {  	_ =	shalt  }
0x44: {  	_ =	shalt  }
0x45: {  	_ =	shalt  }
0x46: {  	_ =	shalt  }
0x47: {  	_ =	shalt  }
0x48: {  	_ =	shalt  }
0x49: {  	_ =	shalt  }
0x4a: {  	_ =	shalt  }
0x4b: {  	_ =	shalt  }
0x4c: {  	_ =	shalt  }
0x4d: {  	_ =	shalt  }
0x4e: {  	_ =	shalt  }
0x4f: {  	_ =	shalt  }
0x50: {  	_ =	shalt  }
0x51: {  	_ =	shalt  }
0x52: {  	_ =	shalt  }
0x53: {  	_ =	shalt  }
0x54: {  	_ =	shalt  }
0x55: {  	_ =	shalt  }
0x56: {  	_ =	shalt  }
0x57: {  	_ =	shalt  }
0x58: {  	_ =	shalt  }
0x59: {  	_ =	shalt  }
0x5a: {  	_ =	shalt  }
0x5b: {  	_ =	shalt  }
0x5c: {  	_ =	shalt  }
0x5d: {  	_ =	shalt  }
0x5e: {  	_ =	shalt  }
0x5f: {  	_ =	shalt  }
0x60: {  	_ =	shalt  }
0x61: {  	_ =	shalt  }
0x62: {  	_ =	shalt  }
0x63: {  	_ =	shalt  }
0x64: {  	_ =	shalt  }
0x65: {  	_ =	shalt  }
0x66: {  	_ =	shalt  }
0x67: {  	_ =	shalt  }
0x68: {  	_ =	shalt  }
0x69: {  	_ =	shalt  }
0x6a: {  	_ =	shalt  }
0x6b: {  	_ =	shalt  }
0x6c: {  	_ =	shalt  }
0x6d: {  	_ =	shalt  }
0x6e: {  	_ =	shalt  }
0x6f: {  	_ =	shalt  }
0x70: {  	_ =	shalt  }
0x71: {  	_ =	shalt  }
0x72: {  	_ =	shalt  }
0x73: {  	_ =	shalt  }
0x74: {  	_ =	shalt  }
0x75: {  	_ =	shalt  }
0x76: {  	_ =	shalt  }
0x77: {  	_ =	shalt  }
0x78: {  	_ =	shalt  }
0x79: {  	_ =	shalt  }
0x7a: {  	_ =	shalt  }
0x7b: {  	_ =	shalt  }
0x7c: {  	_ =	shalt  }
0x7d: {  	_ =	shalt  }
0x7e: {  	_ =	shalt  }
0x7f: {  	_ =	shalt  }
0x80: {  	_ =	shalt  }
0x81: {  	_ =	shalt  }
0x82: {  	_ =	shalt  }
0x83: {  	_ =	shalt  }
0x84: {  	_ =	shalt  }
0x85: {  	_ =	shalt  }
0x86: {  	_ =	shalt  }
0x87: {  	_ =	shalt  }
.Lfunc_end0:
.L_simem_size_0:
called_computation_lowered:
.L_overlay_start_0:
0x88: {  	s2 =	sld [smem:$0x3FD9]  }
0x89: {  	s3 =	sld [smem:$0x3FFE];
	_ =	sdelay $0x1  }
0x8a: {  	s1 =	srdreg.scid  }
0x8b: {  	s0 =	sand.u32 $0x1, s1  }
0x8c: {  	s17 =	sshll.u32 s0, $0xA;
	s2 =	sadd.s32 s3, s2  }
0x8d: {  	s2 =	sadd.s32 s2, s17  }
0x8e: {  	[smem:$0x3FBB] =	sst s2  }
0x8f: {  	_ = 	snop  }
0x90: {  	s2 =	sld [smem:$0x3FC1];
	(tm) =	ssettm $0x1  }
0x91: {  	s18 =	sld [smem:$0x3FFB];
	_ =	sdelay $0x3  }
0x92: {  	_ =	strace s18  }
0x93: {  	s3 =	sld [smem:$0x3FFC];
	_ =	sdelay $0x3  }
0x94: {  	_ =	strace s3  }
0x95: {  	s3 =	sld [smem:$0x3FFD];
	_ =	sdelay $0x3  }
0x96: {  	_ =	strace s3  }
0x97: {  	_ =	strace $0x8FFFFFFF  }
0x98: {  	s19 =	sld [smem:$0x3FDB];
	_ =	sdelay $0x1  }
0x99: {  	s4 =	simm.s32 $_scs_section_size  }
0x9a: {  	s5 =	simm.s32 $_size__tile_overlayer_lowered;
	s6 =	simm.s32 $_tile_overlayer_lowered  }
0x9b: {  	s22 =	simm.s32 $0x1BFF;
	s21 =	sshll.u32 s6, $0x1;
	s3 =	sadd.s32 s4, s19  }
0x9c: {  	s7 =	simm.s32 $0x0;
	s20 =	sshll.u32 s5, $0x1;
	s5 =	sadd.s32 s21, s3  }
0x9d: {  	[timem:s7], [sflag:s22] =	dma.local [hbm:s5], s20  }
0x9e: {  	_ =	swait.ge [sflag:s22], s20  }
0x9f: {  	s4 =	ssub.s32 $0x0, s20;
	[sflag:s22] =	ssyncset.done $0x0  }
0xa0: {  	[sflag:s22] =	ssyncadd.s32 s4;
	_ =	sdelay $0x1  }
0xa1: {  	s23 =	simm.s32 $0x1B8B  }
0xa2: {  	_ =	swait.ge [sflag:s23], $0x1  }
0xa3: {  	[sflag:s23] =	ssyncset.done $0x0  }
0xa4: {  	s25 =	simm.s32 $0x1B8E;
	s24 =	sld [smem:$0x3FFE];
	[sflag:s23] =	ssyncadd.s32 $0xFFFFFFFF  }
0xa5: {  	s26 =	simm.s32 $execute0_lowered;
	[smem:$0x3FD2] =	sst s25  }
0xa6: {  	s5 =	sshll.u32 s26, $0x1;
	_ =	strace $0x80000046;
	[dreg:$0x1] =	wrdreg $0xFFFFFFFF  }
0xa7: {  	s28 =	simm.s32 $_size_execute0_lowered;
	s3 =	sadd.s32 s3, s5;
	[dreg:$0x0] =	wrdreg $0x0  }
0xa8: {  	s5 =	sshll.u32 s28, $0x1;
	[dreg:$0x2] =	wrdreg s3  }
0xa9: {  	[dreg:$0x3] =	wrdreg s5  }
0xaa: {  	[dreg:$0x4] =	wrdreg $0xC0  }
0xab: {  	_ =	task [dreg:s7], $0x5FFFF  }
0xac: {  	[dreg:$0x1] =	wrdreg $0xFFFFFFFF  }
0xad: {  	[dreg:$0x0] =	wrdreg $0x60  }
0xae: {  	[dreg:$0x2] =	wrdreg s2  }
0xaf: {  	[dreg:$0x3] =	wrdreg s24  }
0xb0: {  	[dreg:$0x4] =	wrdreg $0x9  }
0xb1: {  	_ =	task.clear_ibuf [dreg:s7], $0x5FFFF;
	_ =	strace $0x90000046  }
0xb2: {  	s29 =	simm.s32 $0x9;
	_ =	strace $0x80000048  }
0xb3: {  	_ =	swait.ge [sflag:s29], $0x1  }
0xb4: {  	[sflag:s29] =	ssyncadd.s32 $0xFFFFFFFF  }
0xb5: {  	_ =	strace $0x90000048  }
0xb6: {  	_ =	sfence  }
0xb7: {  	s30 =	sld [smem:$0x0];
	_ =	sdelay $0x2  }
0xb8: {  	s31 =	sshll.u32 s1, $0xD;
	s1 =	sshrl.u32 s1, $0x2  }
0xb9: {  	s3 =	sand.u32 $0x4000, s31;
	s1 =	sadd.s32 s1, s30  }
0xba: {  	s0 =	sor.u32 s3, s0;
	s1 =	sshll.u32 s1, $0x11  }
0xbb: {  	s0 =	sor.u32 s1, s0  }
0xbc: {  	s0 =	sadd.s32 $0x8F2B, s0  }
0xbd: {  	[sflag:s0] =	ssyncadd.remote.s32 $0x1  }
0xbe: {  	_ =	sfence.sel $0xFFFF  }
0xbf: {  	[dreg:$0x0] =	wrdreg $0xFFFFFFFF;
	(pc) =	sbr.abs _section_cstart, $3  }
0xc0: {  	[dreg:$0x1] =	wrdreg $0xFFFFFFFF  }
0xc1: {  	_ =	task.clear_ibuf [dreg:s7], $0x2FFFF;
	_ =	strace $0x9FFFFFFF  }
0xc2: {  	(tm) =	ssettm $0x7FFFFFFF  }
0xc3: {  	_ =	shalt  }
tec
execute0_lowered:
.L_overlay_start_1:
0x0: {  	(tag) =	ssettag $0x1  }
0x1: {  	s2 =	rddreg [dreg:$0x0]  }
0x2: {  	s8 =	rddreg [dreg:$0x1]  }
0x3: {  	s0 =	rddreg [dreg:$0x2];
	s1 =	stileid.u32  }
0x4: {  	s3 =	srdreg.scid;
	_ =	strace $0x80000047;
	s4 =	simm.s32 $0x1  }
0x5: {  	s7 =	simm.s32 $0x1;
	s9 =	simm.s32 $0x1;
	s10 =	simm.s32 $0x3  }
0x6: {  	s13 =	simm.s32 $0x0;
	s5 =	sand.u32 $0x1, s3;
	s6 =	sshll.u32 s1, $0x1  }
0x7: {  	s12 =	simm.s32 $0x0;
	s3 =	sadd.s32 $0x2C00, s8;
	s5 =	sor.u32 s6, s5  }
.Ltmp0:
0x8: {  	[sflag:s4] =	ssyncpa.u1 $0x0;
	p0 =	slt.u32 s5, $0x13;
	(pc) =	sbr.rel .LBB2_1-.Ltmp0, $4  }
0x9: {  	s6 =	simm.s32 $0x2;
	s7 =	simm.s32 @!p0 $0x0;
	p0 =	sne.s32 s5, $0x12  }
0xa: {  	[sflag:s6] =	ssyncpa.u1 $0x0;
	s5 =	smul.u32 $0x30, s5;
	s9 =	simm.s32 @!p0 $0x0  }
0xb: {  	s8 =	sadd.s32 $0x2E00, s8;
	[sflag:s10] =	ssyncpa.u1 $0x0;
	s7 =	sadd.s32 s9, s7  }
0xc: {  	vm0 =	vmmov $0xffff;
	s10 =	simm.s32 $0x0;
	s11 =	smov.u32 s5;
	s9 =	sadd.s32 $0x1, s7  }
.LBB2_4:
0xd: {  	v0 =	vnsel vm1, $0x0, v0  }
0xe: {  	v0 =	vmin.u32 v0, $0x144F;
	_ =	sdelay $0x3  }
0xf: {  	(ifvalue) =	ssetifvalue $0x7FFFFFFF;
	s15 =	sadd.s32 $0x10, s15  }
0x10: {  	[tilespmem:s15], [sflag:$0x1] =	stream.indirect_vreg.gather [hbm4b:s2+s10], $0x1, v0, vm0, $0x4038;
	[tilespmem:$0xC0] =	vst v63  }
0x11: {  	_ =	swait.ge [sflag:s4], $0x30  }
0x12: {  	s30 =	sshrl.u32 s13, $0x3;
	[sflag:s4] =	ssyncset.done $0x0  }
0x13: {  	s31 =	sand.u32 $0x7, s13;
	s15 =	sadd.s32 s8, s30;
	[sflag:s4] =	ssyncadd.s32 $0xFFFFFFD0  }
0x14: {  	[hbm4b:s15+s31] =	stream.linear.scatter [tilespmem:s14], [sflag:$0x3], $0x30, $0x38;
	[tilespmem:$0xC0] =	vst v63  }
.LBB2_5:
0x15: {  	s15 =	sadd.s32 $0x600, s11  }
0x16: {  	p1 =	sgt.s32 s15, $0x95F  }
0x17: {  	s15 =	smov.u32 @p1 s5;
	p1 =	sne.s32 s12, s9  }
.Ltmp1:
0x18: {  	p0 =	slt.u32 s12, $0x2;
	(pc) =	sbr.rel @!p1 .LBB2_6-.Ltmp1, $4  }
0x19: {  	s14 =	simm.s32 @!p0 $0x3  }
0x1a: {  	_ =	swait.ge @!p0 [sflag:s14], $0x30  }
0x1b: {  	s16 =	sadd.s32 $0x1, s12;
	s13 =	smov.u32 s11;
	[sflag:s14] =	ssyncset.done @!p0 $0x0  }
0x1c: {  	s12 =	smov.u32 s16;
	s11 =	smov.u32 s15;
	[sflag:s14] =	ssyncadd.s32 @!p0 $0xFFFFFFD0  }
.LBB2_1:
0x1d: {  	p0 =	sge.u32 s12, s7  }
0x1e: {  	s14 =	sxor.u32 @!p0 $0x1, s12  }
0x1f: {  	s14 =	smul.u32 @!p0 $0xC0, s14  }
0x20: {  	s31 =	sadd.s32 $0xFFFFFFFF, s12;
	s15 =	sshrl.u32 @!p0 s11, $0x3  }
0x21: {  	s16 =	sand.u32 @!p0 $0x7, s11;
	s15 =	sadd.s32 @!p0 s3, s15;
	s14 =	sshra.s32 @!p0 s14, $0x2  }
0x22: {  	[tilespmem:s14], [sflag:$0x2] =	stream.linear.gather @!p0 [hbm4b:s15+s16], $0x30, $0x38;
	[tilespmem:$0xC0] =	vst v63  }
0x23: {  	p0 =	sge.u32 s31, s7  }
.Ltmp2:
0x24: {  	_ = 	snop;
	(pc) =	sbr.rel @p0 .LBB2_5-.Ltmp2, $1  }
0x25: {  	_ =	sdelay $0x3  }
0x26: {  	s14 =	sand.u32 $0x1, s12  }
0x27: {  	_ =	swait.ge [sflag:s6], $0x30;
	p0 =	seq.s32 s14, $0x1;
	s14 =	simm.s32 $0x30  }
0x28: {  	[sflag:s6] =	ssyncset.done $0x0;
	s14 =	simm.s32 @!p0 $0x0  }
0x29: {  	[sflag:s6] =	ssyncadd.s32 $0xFFFFFFD0;
	(ifvalue) =	ssetifvalue $0x7FFFFFFF;
	v0 =	vld.msk [tilespmem:s14+$0x0 ss:$0x1], $0xffff;
	_ =	sdelay $0x4  }
0x2a: {  	vm1 =	vgt.s32 v0, $0x0  }
0x2b: {  	s15 =	sadd.s32 $0x10, s14;
	v0 =	vnsel vm1, $0x0, v0  }
0x2c: {  	v1 =	vmin.u32 v0, $0x144F;
	v0 =	vld.msk [tilespmem:s15+$0x0 ss:$0x1], $0xffff;
	_ =	sdelay $0x2  }
0x2d: {  	s16 =	simm.s32 $0x10;
	s14 =	sadd.s32 $0x60, s14  }
0x2e: {  	s17 =	sadd.s32 $0x10, s15;
	(ifvalue) =	ssetifvalue $0x7FFFFFFF;
	s15 =	smov.u32 s14  }
0x2f: {  	[tilespmem:s14], [sflag:$0x1] =	stream.indirect_vreg.gather [hbm4b:s2+s10], $0x1, v1, vm0, $0x4038;
	vm1 =	vgt.s32 v0, $0x0;
	[tilespmem:$0xC0] =	vst v63  }
.LBB2_3:
0x30: {  	s16 =	sadd.s32 $0x10, s16;
	v1 =	vnsel vm1, $0x0, v0;
	v0 =	vld.msk [tilespmem:s17+$0x0 ss:$0x1], $0xffff  }
0x31: {  	p0 =	slt.u32 s16, $0x20;
	v1 =	vmin.u32 v1, $0x144F  }
.Ltmp3:
0x32: {  	(pc) =	sbr.rel @p0 .LBB2_3-.Ltmp3, $3  }
0x33: {  	_ =	sdelay $0x1  }
0x34: {  	s17 =	sadd.s32 $0x10, s17;
	s15 =	sadd.s32 $0x10, s15;
	(ifvalue) =	ssetifvalue $0x7FFFFFFF  }
0x35: {  	vm1 =	vgt.s32 v0, $0x0;
	[tilespmem:s15], [sflag:$0x1] =	stream.indirect_vreg.gather [hbm4b:s2+s10], $0x1, v1, vm0, $0x4038;
	[tilespmem:$0xC0] =	vst v63  }
.Ltmp4:
0x36: {  	_ = 	snop;
	(pc) =	sbr.rel .LBB2_4-.Ltmp4, $1  }
0x37: {  	_ =	sdelay $0x3  }
.LBB2_6:
0x38: {  	_ =	sfence.sel $0x180000  }
0x39: {  	s2 =	simm.s32 $0x2;
	[bflag:$0x0] =	sbarrier.arrive $0xFFFF  }
0x3a: {  	s30 =	simm.s32 $0x3;
	[sflag:s2] =	ssyncpa.u1 $0x1  }
0x3b: {  	s31 =	simm.s32 $0x1;
	[sflag:s30] =	ssyncpa.u1 $0x1  }
0x3c: {  	[sflag:s31] =	ssyncpa.u1 $0x1  }
0x3d: {  	p0 =	sne.s32 s1, $0x0;
	_ =	strace $0x90000047  }
0x3e: {  	s0 =	sadd.s32 @!p0 $0x100000, s0;
	[bflag:$0x2] =	sbarrier.arrive $0xFFFF  }
0x3f: {  	[sflag:s0] =	ssyncadd.tile.s32 @!p0 $0x1;
	_ =	shalt  }
.Lfunc_end2:
_tile_overlayer_lowered:
.L_overlay_start_2:
0x40: {  	(tag) =	ssettag $0x2  }
0x41: {  	s0 =	rddreg [dreg:$0x0];
	s2 =	stileid.u32  }
0x42: {  	s1 =	rddreg [dreg:$0x1];
	p0 =	sne.s32 s2, $0x0  }
0x43: {  	s3 =	rddreg [dreg:$0x2];
	[bflag:$0x3] =	sbarrier.arrive $0xFFFF;
	s2 =	simm.s32 @!p0 $0x1C01  }
0x44: {  	[timem:s3], [sflag:s2] =	dma.local @!p0 [hbm:s0], s1  }
0x45: {  	s0 =	simm.s32 @!p0 $0x1  }
0x46: {  	_ =	swait.ge @!p0 [sflag:s0], s1  }
0x47: {  	s1 =	ssub.s32 @!p0 $0x0, s1;
	[sflag:s0] =	ssyncset.done @!p0 $0x0  }
0x48: {  	[sflag:s0] =	ssyncadd.s32 @!p0 s1  }
0x49: {  	[bflag:$0x3] =	sbarrier.arrive $0xFFFF  }
0x4a: {  	_ =	shalt  }

</sc_bundles>
